<compile_context>
chip_gen: v7x
topology: tpu7x:2x2x1
jax: 0.10.2.dev20260603
libtpu: 0.0.44.dev20260713+nightly
codegen_flags: <defaults>
</compile_context>

<pallas_src>
import functools
import jax
import jax.numpy as jnp
from jax import lax
from jax.experimental import pallas as pl
from jax.experimental.pallas import tpu as pltpu
from jax.experimental.pallas import tpu_sc as plsc

_EMBED_DIM = 128
_HIDDEN_DIM = 1024
_NUM_CHORDS = 1000
_BATCH = 4096
_HIST = 20
_SPANS = (2, 4, 6, 8)
_BLOCK_B = 4096


def _make_sc_gather(total_rows, dim, chunk):
    info = plsc.get_sparse_core_info()
    nw = info.num_cores * info.num_subcores
    rows_per_w = total_rows // nw
    n_chunks = rows_per_w // chunk
    mesh = plsc.VectorSubcoreMesh(core_axis_name="c", subcore_axis_name="s")

    @functools.partial(
        pl.kernel,
        mesh=mesh,
        out_type=jax.ShapeDtypeStruct((total_rows, dim), jnp.float32),
        scratch_types=[
            pltpu.VMEM((chunk,), jnp.int32),
            pltpu.VMEM((chunk, dim), jnp.float32),
            pltpu.SemaphoreType.DMA,
        ],
    )
    def gather_kernel(table_hbm, idx_hbm, out_hbm, idx_v, rows_v, sem):
        wid = lax.axis_index("s") * info.num_cores + lax.axis_index("c")
        base = wid * rows_per_w

        def body(ci, _):
            off = base + ci * chunk
            pltpu.sync_copy(idx_hbm.at[pl.ds(off, chunk)], idx_v)
            pltpu.async_copy(table_hbm.at[idx_v], rows_v, sem).wait()
            pltpu.sync_copy(rows_v, out_hbm.at[pl.ds(off, chunk)])
            return ()

        lax.fori_loop(0, n_chunks, body, (), unroll=False)

    return gather_kernel


def _fuse_weights_kernel(w1_ref, w2t_ref, b1_ref, b2_ref, wct_ref, bcc_ref):
    wct_ref[...] = lax.dot_general(
        w2t_ref[...], w1_ref[...], (((1,), (1,)), ((), ())),
        preferred_element_type=jnp.float32).astype(jnp.bfloat16)
    bcc_ref[...] = jnp.sum(w2t_ref[...] * b1_ref[...], axis=1,
                           keepdims=True) + b2_ref[...]


def _fuse_weights(W1, W2, b1, b2):
    return pl.pallas_call(
        _fuse_weights_kernel,
        out_shape=(
            jax.ShapeDtypeStruct((_NUM_CHORDS, _EMBED_DIM), jnp.bfloat16),
            jax.ShapeDtypeStruct((_NUM_CHORDS, 1), jnp.float32),
        ),
    )(W1, jnp.transpose(W2), b1.reshape(1, _HIDDEN_DIM),
      b2.reshape(_NUM_CHORDS, 1))


def _matmul_t_kernel(x_ref, wct_ref, bcc_ref, o_ref):
    o_ref[0] = lax.dot_general(
        wct_ref[...], x_ref[0].astype(jnp.bfloat16), (((1,), (1,)), ((), ())),
        preferred_element_type=jnp.float32) + bcc_ref[...]


def _matmul_t_first(X3, WcT, bcc, l_span):
    grid = (l_span, _BATCH // _BLOCK_B)
    return pl.pallas_call(
        _matmul_t_kernel,
        grid=grid,
        in_specs=[
            pl.BlockSpec((1, _BLOCK_B, _EMBED_DIM), lambda l, j: (l, j, 0)),
            pl.BlockSpec((_NUM_CHORDS, _EMBED_DIM), lambda l, j: (0, 0)),
            pl.BlockSpec((_NUM_CHORDS, 1), lambda l, j: (0, 0)),
        ],
        out_specs=pl.BlockSpec((1, _NUM_CHORDS, _BLOCK_B),
                               lambda l, j: (l, 0, j)),
        out_shape=jax.ShapeDtypeStruct((_HIST, _NUM_CHORDS, _BATCH),
                                       jnp.float32),
        compiler_params=pltpu.CompilerParams(
            dimension_semantics=("arbitrary", "arbitrary"),
        ),
    )(X3, WcT, bcc)


def _matmul_t_next(out_buf, X3, WcT, bcc, l_off, l_span):
    grid = (l_span, _BATCH // _BLOCK_B)

    def _noop_out_kernel(o_buf_ref, x_ref, wct_ref, bcc_ref, o_ref):
        del o_buf_ref
        _matmul_t_kernel(x_ref, wct_ref, bcc_ref, o_ref)

    return pl.pallas_call(
        _noop_out_kernel,
        grid=grid,
        in_specs=[
            pl.BlockSpec(memory_space=pl.ANY),
            pl.BlockSpec((1, _BLOCK_B, _EMBED_DIM), lambda l, j: (l, j, 0)),
            pl.BlockSpec((_NUM_CHORDS, _EMBED_DIM), lambda l, j: (0, 0)),
            pl.BlockSpec((_NUM_CHORDS, 1), lambda l, j: (0, 0)),
        ],
        out_specs=pl.BlockSpec((1, _NUM_CHORDS, _BLOCK_B),
                               lambda l, j: (l + l_off, 0, j)),
        out_shape=jax.ShapeDtypeStruct((_HIST, _NUM_CHORDS, _BATCH),
                                       jnp.float32),
        input_output_aliases={0: 0},
        compiler_params=pltpu.CompilerParams(
            dimension_semantics=("arbitrary", "arbitrary"),
        ),
    )(out_buf, X3, WcT, bcc)


def _inner_chunk(rows_per_w):
    n_inner = -(-rows_per_w // 256)
    while rows_per_w % n_inner:
        n_inner += 1
    return rows_per_w // n_inner


@jax.jit
def kernel(input_notes, emb, W1, b1, W2, b2):
    batch, hist = input_notes.shape
    idx = jnp.transpose(input_notes).reshape(-1).astype(jnp.int32)
    WcT, bcc = _fuse_weights(W1, W2, b1, b2)
    xs = []
    row_off = 0
    for span in _SPANS:
        rows = span * batch
        gather = _make_sc_gather(rows, _EMBED_DIM,
                                 chunk=_inner_chunk(rows // 32))
        xs.append(
            gather(emb, lax.dynamic_slice_in_dim(idx, row_off, rows))
            .reshape(span, batch, _EMBED_DIM))
        row_off += rows
    out_t = _matmul_t_first(xs[0], WcT, bcc, _SPANS[0])
    l_off = _SPANS[0]
    for k in range(1, len(_SPANS)):
        out_t = _matmul_t_next(out_t, xs[k], WcT, bcc, l_off, _SPANS[k])
        l_off += _SPANS[k]
    return jnp.transpose(out_t, (2, 0, 1))

# --- scband reference (transcript-rebuilt; emitter-appended) ---
"""Pipeline reference for scband-midichord-model-18021682774335 (READ-ONLY COPY).

The authoritative reference and input builder live on the scoring server;
editing this copy changes nothing except your own understanding.
"""

import jax, jax.numpy as jnp
import numpy as np

NUM_NOTES = 100000
NUM_CHORDS = 1000
EMBED_DIM = 128
HIDDEN_DIM = 1024
BATCH = 4096
HIST = 20

def setup_inputs(seed: int = 0) -> dict:
    key = jax.random.key(seed)
    k1, k2, k3, k4, k5, k6 = jax.random.split(key, 6)
    input_notes = jax.random.randint(k1, (BATCH, HIST), 0, NUM_NOTES, dtype=jnp.int64 if jax.config.jax_enable_x64 else jnp.int32)
    emb = jax.random.normal(k2, (NUM_NOTES, EMBED_DIM), dtype=jnp.float32)
    W1 = jax.random.normal(k3, (EMBED_DIM, HIDDEN_DIM), dtype=jnp.float32) * (1.0 / np.sqrt(EMBED_DIM))
    b1 = jax.random.normal(k4, (HIDDEN_DIM,), dtype=jnp.float32) * 0.01
    W2 = jax.random.normal(k5, (HIDDEN_DIM, NUM_CHORDS), dtype=jnp.float32) * (1.0 / np.sqrt(HIDDEN_DIM))
    b2 = jax.random.normal(k6, (NUM_CHORDS,), dtype=jnp.float32) * 0.01
    return {"input_notes": input_notes, "emb": emb, "W1": W1, "b1": b1, "W2": W2, "b2": b2}

def reference(input_notes, emb, W1, b1, W2, b2):
    # note_embedded = self.embedding(input_notes)
    note_embedded = jnp.take(emb, input_notes, axis=0)  # [B, L, E]
    # out = self.fc1(note_embedded)
    out = jnp.dot(note_embedded, W1) + b1  # [B, L, H]
    # out = self.fc2(out)  (no activation in original module)
    out = jnp.dot(out, W2) + b2  # [B, L, C]
    return out

if __name__ == "__main__":
    import jax
    _d = setup_inputs()
    print(jax.jit(kernel)(*tuple(_d.values())))

</pallas_src>

<mosaic_0001>
#map = affine_map<(d0, d1) -> (0, 0)>
#map1 = affine_map<(d0, d1) -> (0)>
module attributes {stable_mosaic.version = 14 : i64} {
  func.func @gather_kernel(%arg0: i32, %arg1: i32, %arg2: memref<100000x128xf32, #tpu.memory_space<hbm>>, %arg3: memref<8192xi32, #tpu.memory_space<hbm>>, %arg4: memref<8192x128xf32, #tpu.memory_space<hbm>>, %arg5: memref<256xi32, #tpu.memory_space<vmem>>, %arg6: memref<256x128xf32, #tpu.memory_space<vmem>>, %arg7: memref<!tpu.dma_semaphore, #tpu.memory_space<semaphore_mem>>) attributes {dimension_semantics = [#tpu.dimension_semantics<core_parallel>, #tpu.dimension_semantics<subcore_parallel>], iteration_bounds = array<i64: 2, 16>, scalar_prefetch = 0 : i64, scratch_operands = 3 : i64, tpu.core_type = #tpu.core_type<sc_vector_subcore>, window_params = [{transform_indices = #map}, {transform_indices = #map1}, {transform_indices = #map}]} {
    %mul3A = arith.constant 2 : i32
    %mul3A_0 = arith.muli %arg1, %mul3A : i32
    %add3A = arith.addi %mul3A_0, %arg0 : i32
    %mul3A_1 = arith.constant 256 : i32
    %mul3A_2 = arith.muli %add3A, %mul3A_1 : i32
    %scan3A = arith.constant 0 : i32
    %mul3A_3 = arith.constant 256 : i32
    %mul3A_4 = arith.muli %scan3A, %mul3A_3 : i32
    %add3A_5 = arith.addi %mul3A_2, %mul3A_4 : i32
    "tpu.region"() ({
      %run_scoped3A = tpu.sem_alloc : memref<!tpu.dma_semaphore, #tpu.memory_space<semaphore_mem>>
      %dma_start3A_11 = tpu.memref_slice %arg3[%add3A_5] : memref<8192xi32, #tpu.memory_space<hbm>> -> memref<256xi32, #tpu.memory_space<hbm>>
      %dma_start3A_12 = tpu.memref_slice %arg3[%add3A_5] : memref<8192xi32, #tpu.memory_space<hbm>> -> memref<256xi32, #tpu.memory_space<hbm>>
      tpu.enqueue_dma source(%dma_start3A_12 : memref<256xi32, #tpu.memory_space<hbm>>) target(%arg5 : memref<256xi32, #tpu.memory_space<vmem>>) target_semaphore(%run_scoped3A : memref<!tpu.dma_semaphore, #tpu.memory_space<semaphore_mem>>)
      %dma_wait3A_13 = tpu.memref_slice %arg3[%add3A_5] : memref<8192xi32, #tpu.memory_space<hbm>> -> memref<256xi32, #tpu.memory_space<hbm>>
      %dma_wait3A_14 = tpu.memref_slice %arg3[%add3A_5] : memref<8192xi32, #tpu.memory_space<hbm>> -> memref<256xi32, #tpu.memory_space<hbm>>
      tpu.wait_dma2 semaphore(%run_scoped3A : memref<!tpu.dma_semaphore, #tpu.memory_space<semaphore_mem>>) src(%dma_wait3A_14 : memref<256xi32, #tpu.memory_space<hbm>>) dst(%arg5 : memref<256xi32, #tpu.memory_space<vmem>>)
      tpu.yield
    }) : () -> ()
    %dma_start3A = arith.constant 0 : i32
    %dma_start3A_6 = arith.constant 0 : i32
    %dma_start3A_7 = tpu.memref_slice %arg2[%dma_start3A, %dma_start3A_6] : memref<100000x128xf32, #tpu.memory_space<hbm>> -> memref<100000x128xf32, #tpu.memory_space<hbm>>
    tpu.enqueue_indirect_dma source(%dma_start3A_7 : memref<100000x128xf32, #tpu.memory_space<hbm>>) target(%arg6 : memref<256x128xf32, #tpu.memory_space<vmem>>) offsets(%arg5 : memref<256xi32, #tpu.memory_space<vmem>>) semaphore(%arg7 : memref<!tpu.dma_semaphore, #tpu.memory_space<semaphore_mem>>)
    %dma_wait3A = arith.constant 0 : i32
    %dma_wait3A_8 = arith.constant 0 : i32
    %dma_wait3A_9 = tpu.memref_slice %arg2[%dma_wait3A, %dma_wait3A_8] : memref<100000x128xf32, #tpu.memory_space<hbm>> -> memref<100000x128xf32, #tpu.memory_space<hbm>>
    tpu.wait_indirect_dma semaphore(%arg7 : memref<!tpu.dma_semaphore, #tpu.memory_space<semaphore_mem>>) src(%dma_wait3A_9 : memref<100000x128xf32, #tpu.memory_space<hbm>>) dst(%arg6 : memref<256x128xf32, #tpu.memory_space<vmem>>)
    "tpu.region"() ({
      %run_scoped3A = tpu.sem_alloc : memref<!tpu.dma_semaphore, #tpu.memory_space<semaphore_mem>>
      %dma_start3A_11 = arith.constant 0 : i32
      %dma_start3A_12 = tpu.memref_slice %arg4[%add3A_5, %dma_start3A_11] : memref<8192x128xf32, #tpu.memory_space<hbm>> -> memref<256x128xf32, #tpu.memory_space<hbm>>
      %dma_start3A_13 = arith.constant 0 : i32
      %dma_start3A_14 = tpu.memref_slice %arg4[%add3A_5, %dma_start3A_13] : memref<8192x128xf32, #tpu.memory_space<hbm>> -> memref<256x128xf32, #tpu.memory_space<hbm>>
      tpu.enqueue_dma source(%arg6 : memref<256x128xf32, #tpu.memory_space<vmem>>) target(%dma_start3A_14 : memref<256x128xf32, #tpu.memory_space<hbm>>) target_semaphore(%run_scoped3A : memref<!tpu.dma_semaphore, #tpu.memory_space<semaphore_mem>>)
      %dma_wait3A_15 = arith.constant 0 : i32
      %dma_wait3A_16 = tpu.memref_slice %arg4[%add3A_5, %dma_wait3A_15] : memref<8192x128xf32, #tpu.memory_space<hbm>> -> memref<256x128xf32, #tpu.memory_space<hbm>>
      %dma_wait3A_17 = arith.constant 0 : i32
      %dma_wait3A_18 = tpu.memref_slice %arg4[%add3A_5, %dma_wait3A_17] : memref<8192x128xf32, #tpu.memory_space<hbm>> -> memref<256x128xf32, #tpu.memory_space<hbm>>
      tpu.wait_dma2 semaphore(%run_scoped3A : memref<!tpu.dma_semaphore, #tpu.memory_space<semaphore_mem>>) src(%arg6 : memref<256x128xf32, #tpu.memory_space<vmem>>) dst(%dma_wait3A_18 : memref<256x128xf32, #tpu.memory_space<hbm>>)
      tpu.yield
    }) : () -> ()
    %scan3A_10 = arith.constant 1 : i32
    return
  }
}

#map = affine_map<(d0, d1) -> (0, 0)>
#map1 = affine_map<(d0, d1) -> (0)>
module attributes {stable_mosaic.version = 14 : i64} {
  func.func @gather_kernel(%arg0: i32, %arg1: i32, %arg2: memref<100000x128xf32, #tpu.memory_space<hbm>>, %arg3: memref<16384xi32, #tpu.memory_space<hbm>>, %arg4: memref<16384x128xf32, #tpu.memory_space<hbm>>, %arg5: memref<256xi32, #tpu.memory_space<vmem>>, %arg6: memref<256x128xf32, #tpu.memory_space<vmem>>, %arg7: memref<!tpu.dma_semaphore, #tpu.memory_space<semaphore_mem>>) attributes {dimension_semantics = [#tpu.dimension_semantics<core_parallel>, #tpu.dimension_semantics<subcore_parallel>], iteration_bounds = array<i64: 2, 16>, scalar_prefetch = 0 : i64, scratch_operands = 3 : i64, tpu.core_type = #tpu.core_type<sc_vector_subcore>, window_params = [{transform_indices = #map}, {transform_indices = #map1}, {transform_indices = #map}]} {
    %mul3A = arith.constant 2 : i32
    %mul3A_0 = arith.muli %arg1, %mul3A : i32
    %add3A = arith.addi %mul3A_0, %arg0 : i32
    %mul3A_1 = arith.constant 512 : i32
    %mul3A_2 = arith.muli %add3A, %mul3A_1 : i32
    %scan3A = arith.constant 0 : i32
    %scan3A_3 = arith.constant 2 : i32
    %scan3A_4 = arith.addi %scan3A, %scan3A_3 : i32
    %scan3A_5 = arith.constant 1 : i32
    scf.for %scan3A_7 = %scan3A to %scan3A_4 step %scan3A_5  : i32 {
      %mul3A_8 = arith.constant 256 : i32
      %mul3A_9 = arith.muli %scan3A_7, %mul3A_8 : i32
      %add3A_10 = arith.addi %mul3A_2, %mul3A_9 : i32
      "tpu.region"() ({
        %run_scoped3A = tpu.sem_alloc : memref<!tpu.dma_semaphore, #tpu.memory_space<semaphore_mem>>
        %dma_start3A_15 = tpu.memref_slice %arg3[%add3A_10] : memref<16384xi32, #tpu.memory_space<hbm>> -> memref<256xi32, #tpu.memory_space<hbm>>
        %dma_start3A_16 = tpu.memref_slice %arg3[%add3A_10] : memref<16384xi32, #tpu.memory_space<hbm>> -> memref<256xi32, #tpu.memory_space<hbm>>
        tpu.enqueue_dma source(%dma_start3A_16 : memref<256xi32, #tpu.memory_space<hbm>>) target(%arg5 : memref<256xi32, #tpu.memory_space<vmem>>) target_semaphore(%run_scoped3A : memref<!tpu.dma_semaphore, #tpu.memory_space<semaphore_mem>>)
        %dma_wait3A_17 = tpu.memref_slice %arg3[%add3A_10] : memref<16384xi32, #tpu.memory_space<hbm>> -> memref<256xi32, #tpu.memory_space<hbm>>
        %dma_wait3A_18 = tpu.memref_slice %arg3[%add3A_10] : memref<16384xi32, #tpu.memory_space<hbm>> -> memref<256xi32, #tpu.memory_space<hbm>>
        tpu.wait_dma2 semaphore(%run_scoped3A : memref<!tpu.dma_semaphore, #tpu.memory_space<semaphore_mem>>) src(%dma_wait3A_18 : memref<256xi32, #tpu.memory_space<hbm>>) dst(%arg5 : memref<256xi32, #tpu.memory_space<vmem>>)
        tpu.yield
      }) : () -> ()
      %dma_start3A = arith.constant 0 : i32
      %dma_start3A_11 = arith.constant 0 : i32
      %dma_start3A_12 = tpu.memref_slice %arg2[%dma_start3A, %dma_start3A_11] : memref<100000x128xf32, #tpu.memory_space<hbm>> -> memref<100000x128xf32, #tpu.memory_space<hbm>>
      tpu.enqueue_indirect_dma source(%dma_start3A_12 : memref<100000x128xf32, #tpu.memory_space<hbm>>) target(%arg6 : memref<256x128xf32, #tpu.memory_space<vmem>>) offsets(%arg5 : memref<256xi32, #tpu.memory_space<vmem>>) semaphore(%arg7 : memref<!tpu.dma_semaphore, #tpu.memory_space<semaphore_mem>>)
      %dma_wait3A = arith.constant 0 : i32
      %dma_wait3A_13 = arith.constant 0 : i32
      %dma_wait3A_14 = tpu.memref_slice %arg2[%dma_wait3A, %dma_wait3A_13] : memref<100000x128xf32, #tpu.memory_space<hbm>> -> memref<100000x128xf32, #tpu.memory_space<hbm>>
      tpu.wait_indirect_dma semaphore(%arg7 : memref<!tpu.dma_semaphore, #tpu.memory_space<semaphore_mem>>) src(%dma_wait3A_14 : memref<100000x128xf32, #tpu.memory_space<hbm>>) dst(%arg6 : memref<256x128xf32, #tpu.memory_space<vmem>>)
      "tpu.region"() ({
        %run_scoped3A = tpu.sem_alloc : memref<!tpu.dma_semaphore, #tpu.memory_space<semaphore_mem>>
        %dma_start3A_15 = arith.constant 0 : i32
        %dma_start3A_16 = tpu.memref_slice %arg4[%add3A_10, %dma_start3A_15] : memref<16384x128xf32, #tpu.memory_space<hbm>> -> memref<256x128xf32, #tpu.memory_space<hbm>>
        %dma_start3A_17 = arith.constant 0 : i32
        %dma_start3A_18 = tpu.memref_slice %arg4[%add3A_10, %dma_start3A_17] : memref<16384x128xf32, #tpu.memory_space<hbm>> -> memref<256x128xf32, #tpu.memory_space<hbm>>
        tpu.enqueue_dma source(%arg6 : memref<256x128xf32, #tpu.memory_space<vmem>>) target(%dma_start3A_18 : memref<256x128xf32, #tpu.memory_space<hbm>>) target_semaphore(%run_scoped3A : memref<!tpu.dma_semaphore, #tpu.memory_space<semaphore_mem>>)
        %dma_wait3A_19 = arith.constant 0 : i32
        %dma_wait3A_20 = tpu.memref_slice %arg4[%add3A_10, %dma_wait3A_19] : memref<16384x128xf32, #tpu.memory_space<hbm>> -> memref<256x128xf32, #tpu.memory_space<hbm>>
        %dma_wait3A_21 = arith.constant 0 : i32
        %dma_wait3A_22 = tpu.memref_slice %arg4[%add3A_10, %dma_wait3A_21] : memref<16384x128xf32, #tpu.memory_space<hbm>> -> memref<256x128xf32, #tpu.memory_space<hbm>>
        tpu.wait_dma2 semaphore(%run_scoped3A : memref<!tpu.dma_semaphore, #tpu.memory_space<semaphore_mem>>) src(%arg6 : memref<256x128xf32, #tpu.memory_space<vmem>>) dst(%dma_wait3A_22 : memref<256x128xf32, #tpu.memory_space<hbm>>)
        tpu.yield
      }) : () -> ()
    }
    %scan3A_6 = arith.constant 2 : i32
    return
  }
}

#map = affine_map<(d0, d1) -> (0, 0)>
#map1 = affine_map<(d0, d1) -> (0)>
module attributes {stable_mosaic.version = 14 : i64} {
  func.func @gather_kernel(%arg0: i32, %arg1: i32, %arg2: memref<100000x128xf32, #tpu.memory_space<hbm>>, %arg3: memref<32768xi32, #tpu.memory_space<hbm>>, %arg4: memref<32768x128xf32, #tpu.memory_space<hbm>>, %arg5: memref<256xi32, #tpu.memory_space<vmem>>, %arg6: memref<256x128xf32, #tpu.memory_space<vmem>>, %arg7: memref<!tpu.dma_semaphore, #tpu.memory_space<semaphore_mem>>) attributes {dimension_semantics = [#tpu.dimension_semantics<core_parallel>, #tpu.dimension_semantics<subcore_parallel>], iteration_bounds = array<i64: 2, 16>, scalar_prefetch = 0 : i64, scratch_operands = 3 : i64, tpu.core_type = #tpu.core_type<sc_vector_subcore>, window_params = [{transform_indices = #map}, {transform_indices = #map1}, {transform_indices = #map}]} {
    %mul3A = arith.constant 2 : i32
    %mul3A_0 = arith.muli %arg1, %mul3A : i32
    %add3A = arith.addi %mul3A_0, %arg0 : i32
    %mul3A_1 = arith.constant 1024 : i32
    %mul3A_2 = arith.muli %add3A, %mul3A_1 : i32
    %scan3A = arith.constant 0 : i32
    %scan3A_3 = arith.constant 4 : i32
    %scan3A_4 = arith.addi %scan3A, %scan3A_3 : i32
    %scan3A_5 = arith.constant 1 : i32
    scf.for %scan3A_7 = %scan3A to %scan3A_4 step %scan3A_5  : i32 {
      %mul3A_8 = arith.constant 256 : i32
      %mul3A_9 = arith.muli %scan3A_7, %mul3A_8 : i32
      %add3A_10 = arith.addi %mul3A_2, %mul3A_9 : i32
      "tpu.region"() ({
        %run_scoped3A = tpu.sem_alloc : memref<!tpu.dma_semaphore, #tpu.memory_space<semaphore_mem>>
        %dma_start3A_15 = tpu.memref_slice %arg3[%add3A_10] : memref<32768xi32, #tpu.memory_space<hbm>> -> memref<256xi32, #tpu.memory_space<hbm>>
        %dma_start3A_16 = tpu.memref_slice %arg3[%add3A_10] : memref<32768xi32, #tpu.memory_space<hbm>> -> memref<256xi32, #tpu.memory_space<hbm>>
        tpu.enqueue_dma source(%dma_start3A_16 : memref<256xi32, #tpu.memory_space<hbm>>) target(%arg5 : memref<256xi32, #tpu.memory_space<vmem>>) target_semaphore(%run_scoped3A : memref<!tpu.dma_semaphore, #tpu.memory_space<semaphore_mem>>)
        %dma_wait3A_17 = tpu.memref_slice %arg3[%add3A_10] : memref<32768xi32, #tpu.memory_space<hbm>> -> memref<256xi32, #tpu.memory_space<hbm>>
        %dma_wait3A_18 = tpu.memref_slice %arg3[%add3A_10] : memref<32768xi32, #tpu.memory_space<hbm>> -> memref<256xi32, #tpu.memory_space<hbm>>
        tpu.wait_dma2 semaphore(%run_scoped3A : memref<!tpu.dma_semaphore, #tpu.memory_space<semaphore_mem>>) src(%dma_wait3A_18 : memref<256xi32, #tpu.memory_space<hbm>>) dst(%arg5 : memref<256xi32, #tpu.memory_space<vmem>>)
        tpu.yield
      }) : () -> ()
      %dma_start3A = arith.constant 0 : i32
      %dma_start3A_11 = arith.constant 0 : i32
      %dma_start3A_12 = tpu.memref_slice %arg2[%dma_start3A, %dma_start3A_11] : memref<100000x128xf32, #tpu.memory_space<hbm>> -> memref<100000x128xf32, #tpu.memory_space<hbm>>
      tpu.enqueue_indirect_dma source(%dma_start3A_12 : memref<100000x128xf32, #tpu.memory_space<hbm>>) target(%arg6 : memref<256x128xf32, #tpu.memory_space<vmem>>) offsets(%arg5 : memref<256xi32, #tpu.memory_space<vmem>>) semaphore(%arg7 : memref<!tpu.dma_semaphore, #tpu.memory_space<semaphore_mem>>)
      %dma_wait3A = arith.constant 0 : i32
      %dma_wait3A_13 = arith.constant 0 : i32
      %dma_wait3A_14 = tpu.memref_slice %arg2[%dma_wait3A, %dma_wait3A_13] : memref<100000x128xf32, #tpu.memory_space<hbm>> -> memref<100000x128xf32, #tpu.memory_space<hbm>>
      tpu.wait_indirect_dma semaphore(%arg7 : memref<!tpu.dma_semaphore, #tpu.memory_space<semaphore_mem>>) src(%dma_wait3A_14 : memref<100000x128xf32, #tpu.memory_space<hbm>>) dst(%arg6 : memref<256x128xf32, #tpu.memory_space<vmem>>)
      "tpu.region"() ({
        %run_scoped3A = tpu.sem_alloc : memref<!tpu.dma_semaphore, #tpu.memory_space<semaphore_mem>>
        %dma_start3A_15 = arith.constant 0 : i32
        %dma_start3A_16 = tpu.memref_slice %arg4[%add3A_10, %dma_start3A_15] : memref<32768x128xf32, #tpu.memory_space<hbm>> -> memref<256x128xf32, #tpu.memory_space<hbm>>
        %dma_start3A_17 = arith.constant 0 : i32
        %dma_start3A_18 = tpu.memref_slice %arg4[%add3A_10, %dma_start3A_17] : memref<32768x128xf32, #tpu.memory_space<hbm>> -> memref<256x128xf32, #tpu.memory_space<hbm>>
        tpu.enqueue_dma source(%arg6 : memref<256x128xf32, #tpu.memory_space<vmem>>) target(%dma_start3A_18 : memref<256x128xf32, #tpu.memory_space<hbm>>) target_semaphore(%run_scoped3A : memref<!tpu.dma_semaphore, #tpu.memory_space<semaphore_mem>>)
        %dma_wait3A_19 = arith.constant 0 : i32
        %dma_wait3A_20 = tpu.memref_slice %arg4[%add3A_10, %dma_wait3A_19] : memref<32768x128xf32, #tpu.memory_space<hbm>> -> memref<256x128xf32, #tpu.memory_space<hbm>>
        %dma_wait3A_21 = arith.constant 0 : i32
        %dma_wait3A_22 = tpu.memref_slice %arg4[%add3A_10, %dma_wait3A_21] : memref<32768x128xf32, #tpu.memory_space<hbm>> -> memref<256x128xf32, #tpu.memory_space<hbm>>
        tpu.wait_dma2 semaphore(%run_scoped3A : memref<!tpu.dma_semaphore, #tpu.memory_space<semaphore_mem>>) src(%arg6 : memref<256x128xf32, #tpu.memory_space<vmem>>) dst(%dma_wait3A_22 : memref<256x128xf32, #tpu.memory_space<hbm>>)
        tpu.yield
      }) : () -> ()
    }
    %scan3A_6 = arith.constant 4 : i32
    return
  }
}

#map = affine_map<(d0, d1) -> (0, 0)>
#map1 = affine_map<(d0, d1) -> (0)>
module attributes {stable_mosaic.version = 14 : i64} {
  func.func @gather_kernel(%arg0: i32, %arg1: i32, %arg2: memref<100000x128xf32, #tpu.memory_space<hbm>>, %arg3: memref<24576xi32, #tpu.memory_space<hbm>>, %arg4: memref<24576x128xf32, #tpu.memory_space<hbm>>, %arg5: memref<256xi32, #tpu.memory_space<vmem>>, %arg6: memref<256x128xf32, #tpu.memory_space<vmem>>, %arg7: memref<!tpu.dma_semaphore, #tpu.memory_space<semaphore_mem>>) attributes {dimension_semantics = [#tpu.dimension_semantics<core_parallel>, #tpu.dimension_semantics<subcore_parallel>], iteration_bounds = array<i64: 2, 16>, scalar_prefetch = 0 : i64, scratch_operands = 3 : i64, tpu.core_type = #tpu.core_type<sc_vector_subcore>, window_params = [{transform_indices = #map}, {transform_indices = #map1}, {transform_indices = #map}]} {
    %mul3A = arith.constant 2 : i32
    %mul3A_0 = arith.muli %arg1, %mul3A : i32
    %add3A = arith.addi %mul3A_0, %arg0 : i32
    %mul3A_1 = arith.constant 768 : i32
    %mul3A_2 = arith.muli %add3A, %mul3A_1 : i32
    %scan3A = arith.constant 0 : i32
    %scan3A_3 = arith.constant 3 : i32
    %scan3A_4 = arith.addi %scan3A, %scan3A_3 : i32
    %scan3A_5 = arith.constant 1 : i32
    scf.for %scan3A_7 = %scan3A to %scan3A_4 step %scan3A_5  : i32 {
      %mul3A_8 = arith.constant 256 : i32
      %mul3A_9 = arith.muli %scan3A_7, %mul3A_8 : i32
      %add3A_10 = arith.addi %mul3A_2, %mul3A_9 : i32
      "tpu.region"() ({
        %run_scoped3A = tpu.sem_alloc : memref<!tpu.dma_semaphore, #tpu.memory_space<semaphore_mem>>
        %dma_start3A_15 = tpu.memref_slice %arg3[%add3A_10] : memref<24576xi32, #tpu.memory_space<hbm>> -> memref<256xi32, #tpu.memory_space<hbm>>
        %dma_start3A_16 = tpu.memref_slice %arg3[%add3A_10] : memref<24576xi32, #tpu.memory_space<hbm>> -> memref<256xi32, #tpu.memory_space<hbm>>
        tpu.enqueue_dma source(%dma_start3A_16 : memref<256xi32, #tpu.memory_space<hbm>>) target(%arg5 : memref<256xi32, #tpu.memory_space<vmem>>) target_semaphore(%run_scoped3A : memref<!tpu.dma_semaphore, #tpu.memory_space<semaphore_mem>>)
        %dma_wait3A_17 = tpu.memref_slice %arg3[%add3A_10] : memref<24576xi32, #tpu.memory_space<hbm>> -> memref<256xi32, #tpu.memory_space<hbm>>
        %dma_wait3A_18 = tpu.memref_slice %arg3[%add3A_10] : memref<24576xi32, #tpu.memory_space<hbm>> -> memref<256xi32, #tpu.memory_space<hbm>>
        tpu.wait_dma2 semaphore(%run_scoped3A : memref<!tpu.dma_semaphore, #tpu.memory_space<semaphore_mem>>) src(%dma_wait3A_18 : memref<256xi32, #tpu.memory_space<hbm>>) dst(%arg5 : memref<256xi32, #tpu.memory_space<vmem>>)
        tpu.yield
      }) : () -> ()
      %dma_start3A = arith.constant 0 : i32
      %dma_start3A_11 = arith.constant 0 : i32
      %dma_start3A_12 = tpu.memref_slice %arg2[%dma_start3A, %dma_start3A_11] : memref<100000x128xf32, #tpu.memory_space<hbm>> -> memref<100000x128xf32, #tpu.memory_space<hbm>>
      tpu.enqueue_indirect_dma source(%dma_start3A_12 : memref<100000x128xf32, #tpu.memory_space<hbm>>) target(%arg6 : memref<256x128xf32, #tpu.memory_space<vmem>>) offsets(%arg5 : memref<256xi32, #tpu.memory_space<vmem>>) semaphore(%arg7 : memref<!tpu.dma_semaphore, #tpu.memory_space<semaphore_mem>>)
      %dma_wait3A = arith.constant 0 : i32
      %dma_wait3A_13 = arith.constant 0 : i32
      %dma_wait3A_14 = tpu.memref_slice %arg2[%dma_wait3A, %dma_wait3A_13] : memref<100000x128xf32, #tpu.memory_space<hbm>> -> memref<100000x128xf32, #tpu.memory_space<hbm>>
      tpu.wait_indirect_dma semaphore(%arg7 : memref<!tpu.dma_semaphore, #tpu.memory_space<semaphore_mem>>) src(%dma_wait3A_14 : memref<100000x128xf32, #tpu.memory_space<hbm>>) dst(%arg6 : memref<256x128xf32, #tpu.memory_space<vmem>>)
      "tpu.region"() ({
        %run_scoped3A = tpu.sem_alloc : memref<!tpu.dma_semaphore, #tpu.memory_space<semaphore_mem>>
        %dma_start3A_15 = arith.constant 0 : i32
        %dma_start3A_16 = tpu.memref_slice %arg4[%add3A_10, %dma_start3A_15] : memref<24576x128xf32, #tpu.memory_space<hbm>> -> memref<256x128xf32, #tpu.memory_space<hbm>>
        %dma_start3A_17 = arith.constant 0 : i32
        %dma_start3A_18 = tpu.memref_slice %arg4[%add3A_10, %dma_start3A_17] : memref<24576x128xf32, #tpu.memory_space<hbm>> -> memref<256x128xf32, #tpu.memory_space<hbm>>
        tpu.enqueue_dma source(%arg6 : memref<256x128xf32, #tpu.memory_space<vmem>>) target(%dma_start3A_18 : memref<256x128xf32, #tpu.memory_space<hbm>>) target_semaphore(%run_scoped3A : memref<!tpu.dma_semaphore, #tpu.memory_space<semaphore_mem>>)
        %dma_wait3A_19 = arith.constant 0 : i32
        %dma_wait3A_20 = tpu.memref_slice %arg4[%add3A_10, %dma_wait3A_19] : memref<24576x128xf32, #tpu.memory_space<hbm>> -> memref<256x128xf32, #tpu.memory_space<hbm>>
        %dma_wait3A_21 = arith.constant 0 : i32
        %dma_wait3A_22 = tpu.memref_slice %arg4[%add3A_10, %dma_wait3A_21] : memref<24576x128xf32, #tpu.memory_space<hbm>> -> memref<256x128xf32, #tpu.memory_space<hbm>>
        tpu.wait_dma2 semaphore(%run_scoped3A : memref<!tpu.dma_semaphore, #tpu.memory_space<semaphore_mem>>) src(%arg6 : memref<256x128xf32, #tpu.memory_space<vmem>>) dst(%dma_wait3A_22 : memref<256x128xf32, #tpu.memory_space<hbm>>)
        tpu.yield
      }) : () -> ()
    }
    %scan3A_6 = arith.constant 3 : i32
    return
  }
}

module attributes {stable_mosaic.version = 14 : i64} {
  func.func @_fuse_weights_kernel(%arg0: memref<128x1024xf32, #tpu.memory_space<vmem>>, %arg1: memref<1000x1024xf32, #tpu.memory_space<vmem>>, %arg2: memref<1x1024xf32, #tpu.memory_space<vmem>>, %arg3: memref<1000x1xf32, #tpu.memory_space<vmem>>, %arg4: memref<1000x128xbf16, #tpu.memory_space<vmem>>, %arg5: memref<1000x1xf32, #tpu.memory_space<vmem>>) attributes {dimension_semantics = [], scalar_prefetch = 0 : i64, scratch_operands = 0 : i64, tpu.core_type = #tpu.core_type<tc>} {
    %get3A = arith.constant 0 : index
    %get3A_0 = arith.constant 0 : index
    %get3A_1 = vector.load %arg1[%get3A, %get3A_0] : memref<1000x1024xf32, #tpu.memory_space<vmem>>, vector<1000x1024xf32>
    %get3A_2 = arith.constant 0 : index
    %get3A_3 = arith.constant 0 : index
    %get3A_4 = vector.load %arg0[%get3A_2, %get3A_3] : memref<128x1024xf32, #tpu.memory_space<vmem>>, vector<128x1024xf32>
    %dot_general3A = arith.constant dense<0.000000e+00> : vector<1000x128xf32>
    %dot_general3A_5 = tpu.matmul %get3A_1, %get3A_4, %dot_general3A {dimension_numbers = #tpu.dot_dimension_numbers<[1], [1], [0], [0], [0, 0, 1, 0], [], []>, transpose_lhs_hint = false} : vector<1000x1024xf32>, vector<128x1024xf32>, vector<1000x128xf32> -> vector<1000x128xf32>
    %convert_element_type3A = arith.truncf %dot_general3A_5 : vector<1000x128xf32> to vector<1000x128xbf16>
    %swap3A = arith.constant 0 : index
    %swap3A_6 = arith.constant 0 : index
    %swap3A_7 = vector.load %arg4[%swap3A, %swap3A_6] : memref<1000x128xbf16, #tpu.memory_space<vmem>>, vector<1000x128xbf16>
    tpu.vector_store %arg4[%swap3A, %swap3A_6], %convert_element_type3A {strides = array<i32>} : memref<1000x128xbf16, #tpu.memory_space<vmem>>, vector<1000x128xbf16>,
    %get3A_8 = arith.constant 0 : index
    %get3A_9 = arith.constant 0 : index
    %get3A_10 = vector.load %arg1[%get3A_8, %get3A_9] : memref<1000x1024xf32, #tpu.memory_space<vmem>>, vector<1000x1024xf32>
    %get3A_11 = arith.constant 0 : index
    %get3A_12 = arith.constant 0 : index
    %get3A_13 = vector.load %arg2[%get3A_11, %get3A_12] : memref<1x1024xf32, #tpu.memory_space<vmem>>, vector<1x1024xf32>
    %mul3A = vector.broadcast %get3A_13 : vector<1x1024xf32> to vector<1000x1024xf32>
    %mul3A_14 = arith.mulf %get3A_10, %mul3A : vector<1000x1024xf32>
    %reduce_sum3A = arith.constant dense<0.000000e+00> : vector<1000xf32>
    %reduce_sum3A_15 = vector.multi_reduction <add>, %mul3A_14, %reduce_sum3A [1] : vector<1000x1024xf32> to vector<1000xf32>
    %broadcast_in_dim3A = vector.shape_cast %reduce_sum3A_15 : vector<1000xf32> to vector<1000x1xf32>
    %get3A_16 = arith.constant 0 : index
    %get3A_17 = arith.constant 0 : index
    %get3A_18 = vector.load %arg3[%get3A_16, %get3A_17] : memref<1000x1xf32, #tpu.memory_space<vmem>>, vector<1000x1xf32>
    %add3A = arith.addf %broadcast_in_dim3A, %get3A_18 : vector<1000x1xf32>
    %swap3A_19 = arith.constant 0 : index
    %swap3A_20 = arith.constant 0 : index
    %swap3A_21 = vector.load %arg5[%swap3A_19, %swap3A_20] : memref<1000x1xf32, #tpu.memory_space<vmem>>, vector<1000x1xf32>
    tpu.vector_store %arg5[%swap3A_19, %swap3A_20], %add3A {strides = array<i32>} : memref<1000x1xf32, #tpu.memory_space<vmem>>, vector<1000x1xf32>,
    return
  }
}

module attributes {stable_mosaic.version = 14 : i64} {
  func.func @_matmul_t_kernel(%arg0: i32, %arg1: i32, %arg2: memref<1x4096x128xf32, #tpu.memory_space<vmem>>, %arg3: memref<1000x128xbf16, #tpu.memory_space<vmem>>, %arg4: memref<1000x1xf32, #tpu.memory_space<vmem>>, %arg5: memref<1x1000x4096xf32, #tpu.memory_space<vmem>>) attributes {dimension_semantics = [#tpu.dimension_semantics<arbitrary>, #tpu.dimension_semantics<arbitrary>], iteration_bounds = array<i64: 2, 1>, scalar_prefetch = 0 : i64, scratch_operands = 0 : i64, tpu.core_type = #tpu.core_type<tc>, window_params = [{transform_indices = @transform_0, window_bounds = array<i64: 1, 4096, 128>}, {pipeline_mode = #tpu.pipeline_mode<synchronous>, transform_indices = @transform_1, window_bounds = array<i64: 1000, 128>}, {pipeline_mode = #tpu.pipeline_mode<synchronous>, transform_indices = @transform_2, window_bounds = array<i64: 1000, 1>}, {transform_indices = @transform_3, window_bounds = array<i64: 1, 1000, 4096>}]} {
    %get3A = arith.constant 0 : index
    %get3A_0 = arith.constant 0 : index
    %get3A_1 = vector.load %arg3[%get3A, %get3A_0] : memref<1000x128xbf16, #tpu.memory_space<vmem>>, vector<1000x128xbf16>
    %get3A_2 = arith.constant 0 : index
    %get3A_3 = arith.constant 0 : index
    %get3A_4 = arith.constant 0 : index
    %get3A_5 = vector.load %arg2[%get3A_2, %get3A_3, %get3A_4] : memref<1x4096x128xf32, #tpu.memory_space<vmem>>, vector<1x4096x128xf32>
    %get3A_6 = vector.shape_cast %get3A_5 : vector<1x4096x128xf32> to vector<4096x128xf32>
    %convert_element_type3A = arith.truncf %get3A_6 : vector<4096x128xf32> to vector<4096x128xbf16>
    %dot_general3A = arith.constant dense<0.000000e+00> : vector<1000x4096xf32>
    %dot_general3A_7 = tpu.matmul %get3A_1, %convert_element_type3A, %dot_general3A {dimension_numbers = #tpu.dot_dimension_numbers<[1], [1], [0], [0], [0, 0, 1, 0], [], []>, transpose_lhs_hint = false} : vector<1000x128xbf16>, vector<4096x128xbf16>, vector<1000x4096xf32> -> vector<1000x4096xf32>
    %get3A_8 = arith.constant 0 : index
    %get3A_9 = arith.constant 0 : index
    %get3A_10 = vector.load %arg4[%get3A_8, %get3A_9] : memref<1000x1xf32, #tpu.memory_space<vmem>>, vector<1000x1xf32>
    %add3A = vector.broadcast %get3A_10 : vector<1000x1xf32> to vector<1000x4096xf32>
    %add3A_11 = arith.addf %dot_general3A_7, %add3A : vector<1000x4096xf32>
    %swap3A = arith.constant 0 : index
    %swap3A_12 = arith.constant 0 : index
    %swap3A_13 = arith.constant 0 : index
    %swap3A_14 = vector.load %arg5[%swap3A, %swap3A_12, %swap3A_13] : memref<1x1000x4096xf32, #tpu.memory_space<vmem>>, vector<1x1000x4096xf32>
    %swap3A_15 = vector.shape_cast %swap3A_14 : vector<1x1000x4096xf32> to vector<1000x4096xf32>
    %swap3A_16 = vector.shape_cast %add3A_11 : vector<1000x4096xf32> to vector<1x1000x4096xf32>
    tpu.vector_store %arg5[%swap3A, %swap3A_12, %swap3A_13], %swap3A_16 {strides = array<i32>} : memref<1x1000x4096xf32, #tpu.memory_space<vmem>>, vector<1x1000x4096xf32>,
    return
  }
  func.func @transform_0(%arg0: i32, %arg1: i32) -> (i32, i32, i32) {
    %c0_i32 = arith.constant 0 : i32
    %c0_i32_0 = arith.constant 0 : i32
    return %arg0, %arg1, %c0_i32 : i32, i32, i32
  }
  func.func @transform_1(%arg0: i32, %arg1: i32) -> (i32, i32) {
    %c0_i32 = arith.constant 0 : i32
    %c0_i32_0 = arith.constant 0 : i32
    %c0_i32_1 = arith.constant 0 : i32
    return %c0_i32, %c0_i32_0 : i32, i32
  }
  func.func @transform_2(%arg0: i32, %arg1: i32) -> (i32, i32) {
    %c0_i32 = arith.constant 0 : i32
    %c0_i32_0 = arith.constant 0 : i32
    %c0_i32_1 = arith.constant 0 : i32
    return %c0_i32, %c0_i32_0 : i32, i32
  }
  func.func @transform_3(%arg0: i32, %arg1: i32) -> (i32, i32, i32) {
    %c0_i32 = arith.constant 0 : i32
    %c0_i32_0 = arith.constant 0 : i32
    return %arg0, %c0_i32, %arg1 : i32, i32, i32
  }
}

module attributes {stable_mosaic.version = 14 : i64} {
  func.func @_noop_out_kernel(%arg0: i32, %arg1: i32, %arg2: memref<20x1000x4096xf32, #tpu.memory_space<any>>, %arg3: memref<1x4096x128xf32, #tpu.memory_space<vmem>>, %arg4: memref<1000x128xbf16, #tpu.memory_space<vmem>>, %arg5: memref<1000x1xf32, #tpu.memory_space<vmem>>, %arg6: memref<1x1000x4096xf32, #tpu.memory_space<vmem>>) attributes {dimension_semantics = [#tpu.dimension_semantics<arbitrary>, #tpu.dimension_semantics<arbitrary>], iteration_bounds = array<i64: 4, 1>, scalar_prefetch = 0 : i64, scratch_operands = 0 : i64, tpu.core_type = #tpu.core_type<tc>, window_params = [{}, {transform_indices = @transform_1, window_bounds = array<i64: 1, 4096, 128>}, {pipeline_mode = #tpu.pipeline_mode<synchronous>, transform_indices = @transform_2, window_bounds = array<i64: 1000, 128>}, {pipeline_mode = #tpu.pipeline_mode<synchronous>, transform_indices = @transform_3, window_bounds = array<i64: 1000, 1>}, {transform_indices = @transform_4, window_bounds = array<i64: 1, 1000, 4096>}]} {
    %get3A = arith.constant 0 : index
    %get3A_0 = arith.constant 0 : index
    %get3A_1 = vector.load %arg4[%get3A, %get3A_0] : memref<1000x128xbf16, #tpu.memory_space<vmem>>, vector<1000x128xbf16>
    %get3A_2 = arith.constant 0 : index
    %get3A_3 = arith.constant 0 : index
    %get3A_4 = arith.constant 0 : index
    %get3A_5 = vector.load %arg3[%get3A_2, %get3A_3, %get3A_4] : memref<1x4096x128xf32, #tpu.memory_space<vmem>>, vector<1x4096x128xf32>
    %get3A_6 = vector.shape_cast %get3A_5 : vector<1x4096x128xf32> to vector<4096x128xf32>
    %convert_element_type3A = arith.truncf %get3A_6 : vector<4096x128xf32> to vector<4096x128xbf16>
    %dot_general3A = arith.constant dense<0.000000e+00> : vector<1000x4096xf32>
    %dot_general3A_7 = tpu.matmul %get3A_1, %convert_element_type3A, %dot_general3A {dimension_numbers = #tpu.dot_dimension_numbers<[1], [1], [0], [0], [0, 0, 1, 0], [], []>, transpose_lhs_hint = false} : vector<1000x128xbf16>, vector<4096x128xbf16>, vector<1000x4096xf32> -> vector<1000x4096xf32>
    %get3A_8 = arith.constant 0 : index
    %get3A_9 = arith.constant 0 : index
    %get3A_10 = vector.load %arg5[%get3A_8, %get3A_9] : memref<1000x1xf32, #tpu.memory_space<vmem>>, vector<1000x1xf32>
    %add3A = vector.broadcast %get3A_10 : vector<1000x1xf32> to vector<1000x4096xf32>
    %add3A_11 = arith.addf %dot_general3A_7, %add3A : vector<1000x4096xf32>
    %swap3A = arith.constant 0 : index
    %swap3A_12 = arith.constant 0 : index
    %swap3A_13 = arith.constant 0 : index
    %swap3A_14 = vector.load %arg6[%swap3A, %swap3A_12, %swap3A_13] : memref<1x1000x4096xf32, #tpu.memory_space<vmem>>, vector<1x1000x4096xf32>
    %swap3A_15 = vector.shape_cast %swap3A_14 : vector<1x1000x4096xf32> to vector<1000x4096xf32>
    %swap3A_16 = vector.shape_cast %add3A_11 : vector<1000x4096xf32> to vector<1x1000x4096xf32>
    tpu.vector_store %arg6[%swap3A, %swap3A_12, %swap3A_13], %swap3A_16 {strides = array<i32>} : memref<1x1000x4096xf32, #tpu.memory_space<vmem>>, vector<1x1000x4096xf32>,
    return
  }
  func.func @transform_1(%arg0: i32, %arg1: i32) -> (i32, i32, i32) {
    %c0_i32 = arith.constant 0 : i32
    %c0_i32_0 = arith.constant 0 : i32
    return %arg0, %arg1, %c0_i32 : i32, i32, i32
  }
  func.func @transform_2(%arg0: i32, %arg1: i32) -> (i32, i32) {
    %c0_i32 = arith.constant 0 : i32
    %c0_i32_0 = arith.constant 0 : i32
    %c0_i32_1 = arith.constant 0 : i32
    return %c0_i32, %c0_i32_0 : i32, i32
  }
  func.func @transform_3(%arg0: i32, %arg1: i32) -> (i32, i32) {
    %c0_i32 = arith.constant 0 : i32
    %c0_i32_0 = arith.constant 0 : i32
    %c0_i32_1 = arith.constant 0 : i32
    return %c0_i32, %c0_i32_0 : i32, i32
  }
  func.func @transform_4(%arg0: i32, %arg1: i32) -> (i32, i32, i32) {
    %add3A = arith.constant 2 : i32
    %add3A_0 = arith.addi %arg0, %add3A : i32
    %c0_i32 = arith.constant 0 : i32
    %c0_i32_1 = arith.constant 0 : i32
    return %add3A_0, %c0_i32, %arg1 : i32, i32, i32
  }
}

module attributes {stable_mosaic.version = 14 : i64} {
  func.func @_noop_out_kernel(%arg0: i32, %arg1: i32, %arg2: memref<20x1000x4096xf32, #tpu.memory_space<any>>, %arg3: memref<1x4096x128xf32, #tpu.memory_space<vmem>>, %arg4: memref<1000x128xbf16, #tpu.memory_space<vmem>>, %arg5: memref<1000x1xf32, #tpu.memory_space<vmem>>, %arg6: memref<1x1000x4096xf32, #tpu.memory_space<vmem>>) attributes {dimension_semantics = [#tpu.dimension_semantics<arbitrary>, #tpu.dimension_semantics<arbitrary>], iteration_bounds = array<i64: 6, 1>, scalar_prefetch = 0 : i64, scratch_operands = 0 : i64, tpu.core_type = #tpu.core_type<tc>, window_params = [{}, {transform_indices = @transform_1, window_bounds = array<i64: 1, 4096, 128>}, {pipeline_mode = #tpu.pipeline_mode<synchronous>, transform_indices = @transform_2, window_bounds = array<i64: 1000, 128>}, {pipeline_mode = #tpu.pipeline_mode<synchronous>, transform_indices = @transform_3, window_bounds = array<i64: 1000, 1>}, {transform_indices = @transform_4, window_bounds = array<i64: 1, 1000, 4096>}]} {
    %get3A = arith.constant 0 : index
    %get3A_0 = arith.constant 0 : index
    %get3A_1 = vector.load %arg4[%get3A, %get3A_0] : memref<1000x128xbf16, #tpu.memory_space<vmem>>, vector<1000x128xbf16>
    %get3A_2 = arith.constant 0 : index
    %get3A_3 = arith.constant 0 : index
    %get3A_4 = arith.constant 0 : index
    %get3A_5 = vector.load %arg3[%get3A_2, %get3A_3, %get3A_4] : memref<1x4096x128xf32, #tpu.memory_space<vmem>>, vector<1x4096x128xf32>
    %get3A_6 = vector.shape_cast %get3A_5 : vector<1x4096x128xf32> to vector<4096x128xf32>
    %convert_element_type3A = arith.truncf %get3A_6 : vector<4096x128xf32> to vector<4096x128xbf16>
    %dot_general3A = arith.constant dense<0.000000e+00> : vector<1000x4096xf32>
    %dot_general3A_7 = tpu.matmul %get3A_1, %convert_element_type3A, %dot_general3A {dimension_numbers = #tpu.dot_dimension_numbers<[1], [1], [0], [0], [0, 0, 1, 0], [], []>, transpose_lhs_hint = false} : vector<1000x128xbf16>, vector<4096x128xbf16>, vector<1000x4096xf32> -> vector<1000x4096xf32>
    %get3A_8 = arith.constant 0 : index
    %get3A_9 = arith.constant 0 : index
    %get3A_10 = vector.load %arg5[%get3A_8, %get3A_9] : memref<1000x1xf32, #tpu.memory_space<vmem>>, vector<1000x1xf32>
    %add3A = vector.broadcast %get3A_10 : vector<1000x1xf32> to vector<1000x4096xf32>
    %add3A_11 = arith.addf %dot_general3A_7, %add3A : vector<1000x4096xf32>
    %swap3A = arith.constant 0 : index
    %swap3A_12 = arith.constant 0 : index
    %swap3A_13 = arith.constant 0 : index
    %swap3A_14 = vector.load %arg6[%swap3A, %swap3A_12, %swap3A_13] : memref<1x1000x4096xf32, #tpu.memory_space<vmem>>, vector<1x1000x4096xf32>
    %swap3A_15 = vector.shape_cast %swap3A_14 : vector<1x1000x4096xf32> to vector<1000x4096xf32>
    %swap3A_16 = vector.shape_cast %add3A_11 : vector<1000x4096xf32> to vector<1x1000x4096xf32>
    tpu.vector_store %arg6[%swap3A, %swap3A_12, %swap3A_13], %swap3A_16 {strides = array<i32>} : memref<1x1000x4096xf32, #tpu.memory_space<vmem>>, vector<1x1000x4096xf32>,
    return
  }
  func.func @transform_1(%arg0: i32, %arg1: i32) -> (i32, i32, i32) {
    %c0_i32 = arith.constant 0 : i32
    %c0_i32_0 = arith.constant 0 : i32
    return %arg0, %arg1, %c0_i32 : i32, i32, i32
  }
  func.func @transform_2(%arg0: i32, %arg1: i32) -> (i32, i32) {
    %c0_i32 = arith.constant 0 : i32
    %c0_i32_0 = arith.constant 0 : i32
    %c0_i32_1 = arith.constant 0 : i32
    return %c0_i32, %c0_i32_0 : i32, i32
  }
  func.func @transform_3(%arg0: i32, %arg1: i32) -> (i32, i32) {
    %c0_i32 = arith.constant 0 : i32
    %c0_i32_0 = arith.constant 0 : i32
    %c0_i32_1 = arith.constant 0 : i32
    return %c0_i32, %c0_i32_0 : i32, i32
  }
  func.func @transform_4(%arg0: i32, %arg1: i32) -> (i32, i32, i32) {
    %add3A = arith.constant 6 : i32
    %add3A_0 = arith.addi %arg0, %add3A : i32
    %c0_i32 = arith.constant 0 : i32
    %c0_i32_1 = arith.constant 0 : i32
    return %add3A_0, %c0_i32, %arg1 : i32, i32, i32
  }
}

module attributes {stable_mosaic.version = 14 : i64} {
  func.func @_noop_out_kernel(%arg0: i32, %arg1: i32, %arg2: memref<20x1000x4096xf32, #tpu.memory_space<any>>, %arg3: memref<1x4096x128xf32, #tpu.memory_space<vmem>>, %arg4: memref<1000x128xbf16, #tpu.memory_space<vmem>>, %arg5: memref<1000x1xf32, #tpu.memory_space<vmem>>, %arg6: memref<1x1000x4096xf32, #tpu.memory_space<vmem>>) attributes {dimension_semantics = [#tpu.dimension_semantics<arbitrary>, #tpu.dimension_semantics<arbitrary>], iteration_bounds = array<i64: 8, 1>, scalar_prefetch = 0 : i64, scratch_operands = 0 : i64, tpu.core_type = #tpu.core_type<tc>, window_params = [{}, {transform_indices = @transform_1, window_bounds = array<i64: 1, 4096, 128>}, {pipeline_mode = #tpu.pipeline_mode<synchronous>, transform_indices = @transform_2, window_bounds = array<i64: 1000, 128>}, {pipeline_mode = #tpu.pipeline_mode<synchronous>, transform_indices = @transform_3, window_bounds = array<i64: 1000, 1>}, {transform_indices = @transform_4, window_bounds = array<i64: 1, 1000, 4096>}]} {
    %get3A = arith.constant 0 : index
    %get3A_0 = arith.constant 0 : index
    %get3A_1 = vector.load %arg4[%get3A, %get3A_0] : memref<1000x128xbf16, #tpu.memory_space<vmem>>, vector<1000x128xbf16>
    %get3A_2 = arith.constant 0 : index
    %get3A_3 = arith.constant 0 : index
    %get3A_4 = arith.constant 0 : index
    %get3A_5 = vector.load %arg3[%get3A_2, %get3A_3, %get3A_4] : memref<1x4096x128xf32, #tpu.memory_space<vmem>>, vector<1x4096x128xf32>
    %get3A_6 = vector.shape_cast %get3A_5 : vector<1x4096x128xf32> to vector<4096x128xf32>
    %convert_element_type3A = arith.truncf %get3A_6 : vector<4096x128xf32> to vector<4096x128xbf16>
    %dot_general3A = arith.constant dense<0.000000e+00> : vector<1000x4096xf32>
    %dot_general3A_7 = tpu.matmul %get3A_1, %convert_element_type3A, %dot_general3A {dimension_numbers = #tpu.dot_dimension_numbers<[1], [1], [0], [0], [0, 0, 1, 0], [], []>, transpose_lhs_hint = false} : vector<1000x128xbf16>, vector<4096x128xbf16>, vector<1000x4096xf32> -> vector<1000x4096xf32>
    %get3A_8 = arith.constant 0 : index
    %get3A_9 = arith.constant 0 : index
    %get3A_10 = vector.load %arg5[%get3A_8, %get3A_9] : memref<1000x1xf32, #tpu.memory_space<vmem>>, vector<1000x1xf32>
    %add3A = vector.broadcast %get3A_10 : vector<1000x1xf32> to vector<1000x4096xf32>
    %add3A_11 = arith.addf %dot_general3A_7, %add3A : vector<1000x4096xf32>
    %swap3A = arith.constant 0 : index
    %swap3A_12 = arith.constant 0 : index
    %swap3A_13 = arith.constant 0 : index
    %swap3A_14 = vector.load %arg6[%swap3A, %swap3A_12, %swap3A_13] : memref<1x1000x4096xf32, #tpu.memory_space<vmem>>, vector<1x1000x4096xf32>
    %swap3A_15 = vector.shape_cast %swap3A_14 : vector<1x1000x4096xf32> to vector<1000x4096xf32>
    %swap3A_16 = vector.shape_cast %add3A_11 : vector<1000x4096xf32> to vector<1x1000x4096xf32>
    tpu.vector_store %arg6[%swap3A, %swap3A_12, %swap3A_13], %swap3A_16 {strides = array<i32>} : memref<1x1000x4096xf32, #tpu.memory_space<vmem>>, vector<1x1000x4096xf32>,
    return
  }
  func.func @transform_1(%arg0: i32, %arg1: i32) -> (i32, i32, i32) {
    %c0_i32 = arith.constant 0 : i32
    %c0_i32_0 = arith.constant 0 : i32
    return %arg0, %arg1, %c0_i32 : i32, i32, i32
  }
  func.func @transform_2(%arg0: i32, %arg1: i32) -> (i32, i32) {
    %c0_i32 = arith.constant 0 : i32
    %c0_i32_0 = arith.constant 0 : i32
    %c0_i32_1 = arith.constant 0 : i32
    return %c0_i32, %c0_i32_0 : i32, i32
  }
  func.func @transform_3(%arg0: i32, %arg1: i32) -> (i32, i32) {
    %c0_i32 = arith.constant 0 : i32
    %c0_i32_0 = arith.constant 0 : i32
    %c0_i32_1 = arith.constant 0 : i32
    return %c0_i32, %c0_i32_0 : i32, i32
  }
  func.func @transform_4(%arg0: i32, %arg1: i32) -> (i32, i32, i32) {
    %add3A = arith.constant 12 : i32
    %add3A_0 = arith.addi %arg0, %add3A : i32
    %c0_i32 = arith.constant 0 : i32
    %c0_i32_1 = arith.constant 0 : i32
    return %add3A_0, %c0_i32, %arg1 : i32, i32, i32
  }
}

</mosaic_0001>

<sc_bundles>
// kernel: kernel.11.cloned.1.call-start
scs
__scs_entry_jumppad:
0x0: {  	(pc) =	sbr.rel $0x88, $3  }
0x1: {  	(tag) =	ssettag $0x0;
	lr =	simm.s32 $0x1  }
0x2: {  	[smem:$0x3F9B] =	sst lr;
	_ =	strace $0xD0000000  }
0x3: {  	_ = 	snop  }
0x4: {  	_ = 	snop  }
0x5: {  	_ = 	snop  }
0x6: {  	_ = 	snop  }
0x7: {  	_ = 	snop  }
__scs_overlays_trampoline_lowered:
0x8: {  	[smem:$0x3FAA] =	sst s0  }
0x9: {  	[smem:$0x3FAB] =	sst s1  }
0xa: {  	[smem:$0x3FAC] =	sst s2  }
0xb: {  	[smem:$0x3FAD] =	sst s3  }
0xc: {  	[smem:$0x3FAE] =	sst s4  }
0xd: {  	[smem:$0x3FAF] =	sst s5  }
0xe: {  	[smem:$0x3FB0] =	sst s6  }
0xf: {  	[smem:$0x3FB1] =	sst s7  }
0x10: {  	[smem:$0x3FB2] =	sst s8  }
0x11: {  	[smem:$0x3FB3] =	sst s9;
	s0 =	simm.s32 @!p0 $0x0  }
0x12: {  	s1 =	sld [smem:$0x3F99];
	s0 =	simm.s32 @p0 $0x1  }
0x13: {  	[smem:$0x3FB4] =	sst s0;
	s0 =	simm.s32 @!p1 $0x0  }
0x14: {  	s2 =	sld [smem:$0x3F98];
	s0 =	simm.s32 @p1 $0x1  }
0x15: {  	[smem:$0x3FB5] =	sst s0;
	s0 =	simm.s32 @!p2 $0x0  }
0x16: {  	s3 =	sld [smem:$0x3FDB];
	s0 =	simm.s32 @p2 $0x1  }
0x17: {  	s4 =	simm.s32 $0x1BF5;
	[smem:$0x3FB7] =	sst s0  }
0x18: {  	s0 =	sld [smem:$0x3F9A];
	_ =	swait.ge [sflag:s4], $0x0  }
0x19: {  	s7 =	sld [smem:$0x3F9B]  }
0x1a: {  	s8 =	sadd.s32 $0xFFFFE003, lr  }
0x1b: {  	s9 =	sadd.s32 $0xFFFFFEF7, lr;
	s5 =	simm.s32 $0xFFFFFFFF;
	p2 =	slt.u32 s8, $0xFFFFF086  }
0x1c: {  	p1 =	slt.u32 s9, $0xF7A;
	s5 =	simm.s32 @!p2 $0x0  }
0x1d: {  	s5 =	simm.s32 @p1 $0x1;
	p0 =	seq.s32 s7, s2  }
0x1e: {  	s7 =	smul.u32 @!p0 $0xF7A, s2;
	p2 =	seq.s32 @!p0 s5, $0x0  }
0x1f: {  	s9 =	smul.u32 $0xF7A, s1;
	s8 =	simm.s32 @!p0 $0x1BF5;
	p2 =	por !p2, p0  }
0x20: {  	[sflag:s8] =	ssyncset.s32 @!p0 $0xFFFFF086;
	s6 =	sadd.s32 @!p0 s3, s7;
	s7 =	simm.s32 @!p0 $0x108  }
0x21: {  	s3 =	sadd.s32 s3, s9;
	s6 =	sadd.s32 @!p0 $0x88, s6;
	s7 =	simm.s32 @p2 $0x1082  }
0x22: {  	[simem:s7], [sflag:s8] =	dma.local @!p0 [hbm:s6], $0xF7A  }
0x23: {  	s9 =	sor.u32 $0xD0000000, s2;
	s6 =	simm.s32 $0x108;
	_ =	swait.ge @!p0 [sflag:s8], $0x0  }
0x24: {  	s3 =	sadd.s32 $0x88, s3;
	s6 =	simm.s32 @!p1 $0x1082;
	[sflag:s4] =	ssyncset.s32 $0xFFFFF086  }
0x25: {  	[simem:s6], [sflag:s4] =	dma.local [hbm:s3], $0xF7A  }
0x26: {  	[smem:$0x3F9B] =	sst s1;
	(tag) =	ssettag s2;
	_ =	strace s9  }
0x27: {  	s1 =	sld [smem:$0x3FAB]  }
0x28: {  	s2 =	sld [smem:$0x3FAC]  }
0x29: {  	s4 =	sld [smem:$0x3FAE]  }
0x2a: {  	p0 =	seq.s32 s5, $0x0;
	s5 =	sld [smem:$0x3FAF]  }
0x2b: {  	s6 =	sld [smem:$0x3FB0]  }
0x2c: {  	s7 =	sld [smem:$0x3FB1]  }
0x2d: {  	s3 =	simm.s32 $0x108;
	s8 =	sld [smem:$0x3FB2]  }
0x2e: {  	s3 =	simm.s32 @!p0 $0x1082;
	s9 =	sld [smem:$0x3FB3]  }
0x2f: {  	lr =	sadd.s32 s0, s3;
	s0 =	sld [smem:$0x3FAA]  }
0x30: {  	s3 =	sld [smem:$0x3FAD]  }
0x31: {  	[smem:$0x3FB6] =	sst s10  }
0x32: {  	s10 =	sld [smem:$0x3FB4];
	_ =	sdelay $0x3  }
0x33: {  	p0 =	seq.s32 s10, $0x1;
	s10 =	sld [smem:$0x3FB6];
	_ =	sdelay $0x3  }
0x34: {  	[smem:$0x3FB6] =	sst s10  }
0x35: {  	s10 =	sld [smem:$0x3FB5];
	_ =	sdelay $0x3  }
0x36: {  	p1 =	seq.s32 s10, $0x1;
	s10 =	sld [smem:$0x3FB6];
	_ =	sdelay $0x3  }
0x37: {  	[smem:$0x3FB6] =	sst s10  }
0x38: {  	s10 =	sld [smem:$0x3FB7]  }
0x39: {  	_ = 	snop;
	(pc) =	sbr.ind lr, $3  }
0x3a: {  	_ = 	snop  }
0x3b: {  	_ = 	snop  }
0x3c: {  	p2 =	seq.s32 s10, $0x1;
	s10 =	sld [smem:$0x3FB6]  }
0x3d: {  	_ =	shalt  }
0x3e: {  	_ =	shalt  }
0x3f: {  	_ =	shalt  }
0x40: {  	_ =	shalt  }
0x41: {  	_ =	shalt  }
0x42: {  	_ =	shalt  }
0x43: {  	_ =	shalt  }
0x44: {  	_ =	shalt  }
0x45: {  	_ =	shalt  }
0x46: {  	_ =	shalt  }
0x47: {  	_ =	shalt  }
0x48: {  	_ =	shalt  }
0x49: {  	_ =	shalt  }
0x4a: {  	_ =	shalt  }
0x4b: {  	_ =	shalt  }
0x4c: {  	_ =	shalt  }
0x4d: {  	_ =	shalt  }
0x4e: {  	_ =	shalt  }
0x4f: {  	_ =	shalt  }
0x50: {  	_ =	shalt  }
0x51: {  	_ =	shalt  }
0x52: {  	_ =	shalt  }
0x53: {  	_ =	shalt  }
0x54: {  	_ =	shalt  }
0x55: {  	_ =	shalt  }
0x56: {  	_ =	shalt  }
0x57: {  	_ =	shalt  }
0x58: {  	_ =	shalt  }
0x59: {  	_ =	shalt  }
0x5a: {  	_ =	shalt  }
0x5b: {  	_ =	shalt  }
0x5c: {  	_ =	shalt  }
0x5d: {  	_ =	shalt  }
0x5e: {  	_ =	shalt  }
0x5f: {  	_ =	shalt  }
0x60: {  	_ =	shalt  }
0x61: {  	_ =	shalt  }
0x62: {  	_ =	shalt  }
0x63: {  	_ =	shalt  }
0x64: {  	_ =	shalt  }
0x65: {  	_ =	shalt  }
0x66: {  	_ =	shalt  }
0x67: {  	_ =	shalt  }
0x68: {  	_ =	shalt  }
0x69: {  	_ =	shalt  }
0x6a: {  	_ =	shalt  }
0x6b: {  	_ =	shalt  }
0x6c: {  	_ =	shalt  }
0x6d: {  	_ =	shalt  }
0x6e: {  	_ =	shalt  }
0x6f: {  	_ =	shalt  }
0x70: {  	_ =	shalt  }
0x71: {  	_ =	shalt  }
0x72: {  	_ =	shalt  }
0x73: {  	_ =	shalt  }
0x74: {  	_ =	shalt  }
0x75: {  	_ =	shalt  }
0x76: {  	_ =	shalt  }
0x77: {  	_ =	shalt  }
0x78: {  	_ =	shalt  }
0x79: {  	_ =	shalt  }
0x7a: {  	_ =	shalt  }
0x7b: {  	_ =	shalt  }
0x7c: {  	_ =	shalt  }
0x7d: {  	_ =	shalt  }
0x7e: {  	_ =	shalt  }
0x7f: {  	_ =	shalt  }
0x80: {  	_ =	shalt  }
0x81: {  	_ =	shalt  }
0x82: {  	_ =	shalt  }
0x83: {  	_ =	shalt  }
0x84: {  	_ =	shalt  }
0x85: {  	_ =	shalt  }
0x86: {  	_ =	shalt  }
0x87: {  	_ =	shalt  }
.Lfunc_end0:
.L_simem_size_0:
called_computation_lowered:
.L_overlay_start_0:
0x88: {  	s2 =	sld [smem:$0x3FD9]  }
0x89: {  	s3 =	sld [smem:$0x3FFE];
	_ =	sdelay $0x1  }
0x8a: {  	s1 =	srdreg.scid  }
0x8b: {  	s0 =	sand.u32 $0x1, s1  }
0x8c: {  	s17 =	sshll.u32 s0, $0xA;
	s2 =	sadd.s32 s3, s2  }
0x8d: {  	s2 =	sadd.s32 s2, s17  }
0x8e: {  	[smem:$0x3FC2] =	sst s2  }
0x8f: {  	_ = 	snop  }
0x90: {  	s2 =	sld [smem:$0x3FC8]  }
0x91: {  	s18 =	sld [smem:$0x3FD0];
	(tm) =	ssettm $0x1  }
0x92: {  	s4 =	sld [smem:$0x3FFB];
	_ =	sdelay $0x3  }
0x93: {  	_ =	strace s4  }
0x94: {  	s4 =	sld [smem:$0x3FFC];
	_ =	sdelay $0x3  }
0x95: {  	_ =	strace s4  }
0x96: {  	s4 =	sld [smem:$0x3FFD];
	_ =	sdelay $0x3  }
0x97: {  	_ =	strace s4  }
0x98: {  	_ =	strace $0x8FFFFFFF  }
0x99: {  	s19 =	sld [smem:$0x3FDB];
	_ =	sdelay $0x1  }
0x9a: {  	s5 =	simm.s32 $_scs_section_size  }
0x9b: {  	s6 =	simm.s32 $_size__tile_overlayer_lowered;
	s7 =	simm.s32 $_tile_overlayer_lowered  }
0x9c: {  	s22 =	simm.s32 $0x1BFF;
	s21 =	sshll.u32 s7, $0x1;
	s4 =	sadd.s32 s5, s19  }
0x9d: {  	s8 =	simm.s32 $0x0;
	s20 =	sshll.u32 s6, $0x1;
	s6 =	sadd.s32 s21, s4  }
0x9e: {  	[timem:s8], [sflag:s22] =	dma.local [hbm:s6], s20  }
0x9f: {  	_ =	swait.ge [sflag:s22], s20  }
0xa0: {  	s5 =	ssub.s32 $0x0, s20;
	[sflag:s22] =	ssyncset.done $0x0  }
0xa1: {  	[sflag:s22] =	ssyncadd.s32 s5;
	_ =	sdelay $0x1  }
0xa2: {  	s23 =	simm.s32 $0x1B8B  }
0xa3: {  	_ =	swait.ge [sflag:s23], $0x1  }
0xa4: {  	[sflag:s23] =	ssyncset.done $0x0  }
0xa5: {  	s25 =	simm.s32 $0x1B8E;
	s24 =	sld [smem:$0x3FFE];
	[sflag:s23] =	ssyncadd.s32 $0xFFFFFFFF  }
0xa6: {  	s26 =	simm.s32 $execute0_lowered;
	[smem:$0x3FD2] =	sst s25  }
0xa7: {  	s6 =	sshll.u32 s26, $0x1;
	_ =	strace $0x80000046;
	[dreg:$0x1] =	wrdreg $0xFFFFFFFF  }
0xa8: {  	s28 =	simm.s32 $_size_execute0_lowered;
	s4 =	sadd.s32 s4, s6;
	[dreg:$0x0] =	wrdreg $0x0  }
0xa9: {  	s6 =	sshll.u32 s28, $0x1;
	[dreg:$0x2] =	wrdreg s4  }
0xaa: {  	[dreg:$0x3] =	wrdreg s6  }
0xab: {  	[dreg:$0x4] =	wrdreg $0xC0  }
0xac: {  	_ =	task [dreg:s8], $0x5FFFF  }
0xad: {  	[dreg:$0x1] =	wrdreg $0xFFFFFFFF  }
0xae: {  	[dreg:$0x0] =	wrdreg $0x60  }
0xaf: {  	[dreg:$0x2] =	wrdreg s2  }
0xb0: {  	[dreg:$0x3] =	wrdreg s24  }
0xb1: {  	[dreg:$0x4] =	wrdreg s18  }
0xb2: {  	[dreg:$0x5] =	wrdreg $0x9  }
0xb3: {  	_ =	task.clear_ibuf [dreg:s8], $0x6FFFF;
	_ =	strace $0x90000046  }
0xb4: {  	s29 =	simm.s32 $0x9;
	_ =	strace $0x80000048  }
0xb5: {  	_ =	swait.ge [sflag:s29], $0x1  }
0xb6: {  	[sflag:s29] =	ssyncadd.s32 $0xFFFFFFFF  }
0xb7: {  	_ =	strace $0x90000048  }
0xb8: {  	_ =	sfence  }
0xb9: {  	s30 =	sld [smem:$0x0];
	_ =	sdelay $0x2  }
0xba: {  	s31 =	sshll.u32 s1, $0xD;
	s1 =	sshrl.u32 s1, $0x2  }
0xbb: {  	s3 =	sand.u32 $0x4000, s31;
	s1 =	sadd.s32 s1, s30  }
0xbc: {  	s0 =	sor.u32 s3, s0;
	s1 =	sshll.u32 s1, $0x11  }
0xbd: {  	s0 =	sor.u32 s1, s0  }
0xbe: {  	s0 =	sadd.s32 $0x8F2B, s0  }
0xbf: {  	[sflag:s0] =	ssyncadd.remote.s32 $0x1  }
0xc0: {  	_ =	sfence.sel $0xFFFF  }
0xc1: {  	[dreg:$0x0] =	wrdreg $0xFFFFFFFF;
	(pc) =	sbr.abs _section_cstart, $3  }
0xc2: {  	[dreg:$0x1] =	wrdreg $0xFFFFFFFF  }
0xc3: {  	_ =	task.clear_ibuf [dreg:s8], $0x2FFFF;
	_ =	strace $0x9FFFFFFF  }
0xc4: {  	(tm) =	ssettm $0x7FFFFFFF  }
0xc5: {  	_ =	shalt  }
tec
execute0_lowered:
.L_overlay_start_1:
0x0: {  	(tag) =	ssettag $0x1  }
0x1: {  	s2 =	srdreg.scid  }
0x2: {  	s1 =	rddreg [dreg:$0x0];
	s0 =	stileid.u32;
	s6 =	sand.u32 $0x1, s2  }
0x3: {  	s4 =	rddreg [dreg:$0x1];
	s30 =	sshll.u32 s0, $0x9;
	s3 =	sshll.u32 s6, $0x8  }
0x4: {  	s8 =	rddreg [dreg:$0x2];
	s9 =	sor.u32 s3, s30  }
0x5: {  	s2 =	rddreg [dreg:$0x3];
	s3 =	simm.s32 $0x0;
	s5 =	sshrl.u32 s9, $0x3  }
0x6: {  	s10 =	ssub.s32 $0x2, s6;
	[smem:$0x7FF] =	sst s3;
	s4 =	sadd.s32 s5, s4  }
0x7: {  	_ =	strace $0x80000047;
	s5 =	sadd.s32 $0x2400, s4;
	s4 =	simm.s32 $0x2  }
0x8: {  	[tilespmem:s3], [sflag:$0x2] =	stream.linear.gather [hbm4b:s5+s3], $0x100, $0x38;
	[tilespmem:$0x8100] =	vst v63  }
0x9: {  	s11 =	sshrl.u32 s10, $0x1;
	_ =	swait.ge [sflag:s4], $0x100  }
0xa: {  	s7 =	simm.s32 $0x1;
	s10 =	ssub.s32 s10, s11;
	[sflag:s4] =	ssyncset.done $0x0  }
0xb: {  	s6 =	simm.s32 $0x100;
	s31 =	smax.u32 s10, $0x1;
	[sflag:s4] =	ssyncadd.s32 $0xFFFFFF00  }
0xc: {  	[tilespmem:s6], [sflag:$0x1] =	stream.indirect.gather [hbm4b:s1+s6], $0x80, s3, s6, $0xb8;
	[tilespmem:$0x8100] =	vst v63  }
0xd: {  	p0 =	sne.s32 s31, $0x1;
	_ =	swait.ge [sflag:s7], $0x8000  }
.Ltmp0:
0xe: {  	s9 =	sshll.u32 s9, $0x4;
	[sflag:s7] =	ssyncset.done $0x0;
	(pc) =	sbr.rel @!p0 .LBB2_2-.Ltmp0, $4  }
0xf: {  	s8 =	sadd.s32 s8, s9;
	[sflag:s7] =	ssyncadd.s32 $0xFFFF8000  }
0x10: {  	[hbm4b:s8+s3] =	stream.linear.scatter [tilespmem:s6], [sflag:$0x2], $0x8000, $0x38;
	[tilespmem:$0x8100] =	vst v63  }
0x11: {  	_ =	swait.ge [sflag:s4], $0x8000  }
0x12: {  	s9 =	sadd.s32 $0xFFFFFFFF, s31;
	[sflag:s4] =	ssyncset.done $0x0  }
.LBB2_1:
0x13: {  	p0 =	sne.s32 s9, $0x1;
	s9 =	sadd.s32 $0xFFFFFFFF, s9;
	[sflag:s4] =	ssyncadd.s32 $0xFFFF8000  }
0x14: {  	[tilespmem:s3], [sflag:$0x2] =	stream.linear.gather [hbm4b:s5+s3], $0x100, $0x38;
	[tilespmem:$0x8100] =	vst v63  }
0x15: {  	_ =	swait.ge [sflag:s4], $0x100  }
0x16: {  	[sflag:s4] =	ssyncset.done $0x0  }
0x17: {  	[sflag:s4] =	ssyncadd.s32 $0xFFFFFF00  }
0x18: {  	[tilespmem:s6], [sflag:$0x1] =	stream.indirect.gather [hbm4b:s1+s6], $0x80, s3, s6, $0xb8;
	[tilespmem:$0x8100] =	vst v63  }
0x19: {  	_ =	swait.ge [sflag:s7], $0x8000  }
.Ltmp1:
0x1a: {  	[sflag:s7] =	ssyncset.done $0x0;
	(pc) =	sbr.rel @p0 .LBB2_1-.Ltmp1, $4  }
0x1b: {  	[sflag:s7] =	ssyncadd.s32 $0xFFFF8000  }
0x1c: {  	[hbm4b:s8+s3] =	stream.linear.scatter [tilespmem:s6], [sflag:$0x2], $0x8000, $0x38;
	[tilespmem:$0x8100] =	vst v63  }
0x1d: {  	_ =	swait.ge [sflag:s4], $0x8000  }
0x1e: {  	[sflag:s4] =	ssyncset.done $0x0  }
.LBB2_2:
0x1f: {  	[sflag:s4] =	ssyncadd.s32 $0xFFFF8000  }
0x20: {  	_ =	sfence.sel $0x180000  }
0x21: {  	[bflag:$0x0] =	sbarrier.arrive $0xFFFF  }
0x22: {  	p0 =	sne.s32 s0, $0x0;
	_ =	strace $0x90000047  }
0x23: {  	s0 =	sadd.s32 @!p0 $0x100000, s2;
	[bflag:$0x2] =	sbarrier.arrive $0xFFFF  }
0x24: {  	[sflag:s0] =	ssyncadd.tile.s32 @!p0 $0x1;
	_ =	shalt  }
.Lfunc_end2:
_tile_overlayer_lowered:
.L_overlay_start_2:
0x25: {  	(tag) =	ssettag $0x2  }
0x26: {  	s0 =	rddreg [dreg:$0x0];
	s2 =	stileid.u32  }
0x27: {  	s1 =	rddreg [dreg:$0x1];
	p0 =	sne.s32 s2, $0x0  }
0x28: {  	s3 =	rddreg [dreg:$0x2];
	[bflag:$0x3] =	sbarrier.arrive $0xFFFF;
	s2 =	simm.s32 @!p0 $0x1C02  }
0x29: {  	[timem:s3], [sflag:s2] =	dma.local @!p0 [hbm:s0], s1  }
0x2a: {  	s0 =	simm.s32 @!p0 $0x2  }
0x2b: {  	_ =	swait.ge @!p0 [sflag:s0], s1  }
0x2c: {  	s1 =	ssub.s32 @!p0 $0x0, s1;
	[sflag:s0] =	ssyncset.done @!p0 $0x0  }
0x2d: {  	[sflag:s0] =	ssyncadd.s32 @!p0 s1  }
0x2e: {  	[bflag:$0x3] =	sbarrier.arrive $0xFFFF  }
0x2f: {  	_ =	shalt  }

// kernel: kernel.14.cloned.1.call-start
scs
__scs_entry_jumppad:
0x0: {  	(pc) =	sbr.rel $0x88, $3  }
0x1: {  	(tag) =	ssettag $0x0;
	lr =	simm.s32 $0x1  }
0x2: {  	[smem:$0x3F9B] =	sst lr;
	_ =	strace $0xD0000000  }
0x3: {  	_ = 	snop  }
0x4: {  	_ = 	snop  }
0x5: {  	_ = 	snop  }
0x6: {  	_ = 	snop  }
0x7: {  	_ = 	snop  }
__scs_overlays_trampoline_lowered:
0x8: {  	[smem:$0x3FAA] =	sst s0  }
0x9: {  	[smem:$0x3FAB] =	sst s1  }
0xa: {  	[smem:$0x3FAC] =	sst s2  }
0xb: {  	[smem:$0x3FAD] =	sst s3  }
0xc: {  	[smem:$0x3FAE] =	sst s4  }
0xd: {  	[smem:$0x3FAF] =	sst s5  }
0xe: {  	[smem:$0x3FB0] =	sst s6  }
0xf: {  	[smem:$0x3FB1] =	sst s7  }
0x10: {  	[smem:$0x3FB2] =	sst s8  }
0x11: {  	[smem:$0x3FB3] =	sst s9;
	s0 =	simm.s32 @!p0 $0x0  }
0x12: {  	s1 =	sld [smem:$0x3F99];
	s0 =	simm.s32 @p0 $0x1  }
0x13: {  	[smem:$0x3FB4] =	sst s0;
	s0 =	simm.s32 @!p1 $0x0  }
0x14: {  	s2 =	sld [smem:$0x3F98];
	s0 =	simm.s32 @p1 $0x1  }
0x15: {  	[smem:$0x3FB5] =	sst s0;
	s0 =	simm.s32 @!p2 $0x0  }
0x16: {  	s3 =	sld [smem:$0x3FDB];
	s0 =	simm.s32 @p2 $0x1  }
0x17: {  	s4 =	simm.s32 $0x1BF5;
	[smem:$0x3FB7] =	sst s0  }
0x18: {  	s0 =	sld [smem:$0x3F9A];
	_ =	swait.ge [sflag:s4], $0x0  }
0x19: {  	s7 =	sld [smem:$0x3F9B]  }
0x1a: {  	s8 =	sadd.s32 $0xFFFFE003, lr  }
0x1b: {  	s9 =	sadd.s32 $0xFFFFFEF7, lr;
	s5 =	simm.s32 $0xFFFFFFFF;
	p2 =	slt.u32 s8, $0xFFFFF086  }
0x1c: {  	p1 =	slt.u32 s9, $0xF7A;
	s5 =	simm.s32 @!p2 $0x0  }
0x1d: {  	s5 =	simm.s32 @p1 $0x1;
	p0 =	seq.s32 s7, s2  }
0x1e: {  	s7 =	smul.u32 @!p0 $0xF7A, s2;
	p2 =	seq.s32 @!p0 s5, $0x0  }
0x1f: {  	s9 =	smul.u32 $0xF7A, s1;
	s8 =	simm.s32 @!p0 $0x1BF5;
	p2 =	por !p2, p0  }
0x20: {  	[sflag:s8] =	ssyncset.s32 @!p0 $0xFFFFF086;
	s6 =	sadd.s32 @!p0 s3, s7;
	s7 =	simm.s32 @!p0 $0x108  }
0x21: {  	s3 =	sadd.s32 s3, s9;
	s6 =	sadd.s32 @!p0 $0x88, s6;
	s7 =	simm.s32 @p2 $0x1082  }
0x22: {  	[simem:s7], [sflag:s8] =	dma.local @!p0 [hbm:s6], $0xF7A  }
0x23: {  	s9 =	sor.u32 $0xD0000000, s2;
	s6 =	simm.s32 $0x108;
	_ =	swait.ge @!p0 [sflag:s8], $0x0  }
0x24: {  	s3 =	sadd.s32 $0x88, s3;
	s6 =	simm.s32 @!p1 $0x1082;
	[sflag:s4] =	ssyncset.s32 $0xFFFFF086  }
0x25: {  	[simem:s6], [sflag:s4] =	dma.local [hbm:s3], $0xF7A  }
0x26: {  	[smem:$0x3F9B] =	sst s1;
	(tag) =	ssettag s2;
	_ =	strace s9  }
0x27: {  	s1 =	sld [smem:$0x3FAB]  }
0x28: {  	s2 =	sld [smem:$0x3FAC]  }
0x29: {  	s4 =	sld [smem:$0x3FAE]  }
0x2a: {  	p0 =	seq.s32 s5, $0x0;
	s5 =	sld [smem:$0x3FAF]  }
0x2b: {  	s6 =	sld [smem:$0x3FB0]  }
0x2c: {  	s7 =	sld [smem:$0x3FB1]  }
0x2d: {  	s3 =	simm.s32 $0x108;
	s8 =	sld [smem:$0x3FB2]  }
0x2e: {  	s3 =	simm.s32 @!p0 $0x1082;
	s9 =	sld [smem:$0x3FB3]  }
0x2f: {  	lr =	sadd.s32 s0, s3;
	s0 =	sld [smem:$0x3FAA]  }
0x30: {  	s3 =	sld [smem:$0x3FAD]  }
0x31: {  	[smem:$0x3FB6] =	sst s10  }
0x32: {  	s10 =	sld [smem:$0x3FB4];
	_ =	sdelay $0x3  }
0x33: {  	p0 =	seq.s32 s10, $0x1;
	s10 =	sld [smem:$0x3FB6];
	_ =	sdelay $0x3  }
0x34: {  	[smem:$0x3FB6] =	sst s10  }
0x35: {  	s10 =	sld [smem:$0x3FB5];
	_ =	sdelay $0x3  }
0x36: {  	p1 =	seq.s32 s10, $0x1;
	s10 =	sld [smem:$0x3FB6];
	_ =	sdelay $0x3  }
0x37: {  	[smem:$0x3FB6] =	sst s10  }
0x38: {  	s10 =	sld [smem:$0x3FB7]  }
0x39: {  	_ = 	snop;
	(pc) =	sbr.ind lr, $3  }
0x3a: {  	_ = 	snop  }
0x3b: {  	_ = 	snop  }
0x3c: {  	p2 =	seq.s32 s10, $0x1;
	s10 =	sld [smem:$0x3FB6]  }
0x3d: {  	_ =	shalt  }
0x3e: {  	_ =	shalt  }
0x3f: {  	_ =	shalt  }
0x40: {  	_ =	shalt  }
0x41: {  	_ =	shalt  }
0x42: {  	_ =	shalt  }
0x43: {  	_ =	shalt  }
0x44: {  	_ =	shalt  }
0x45: {  	_ =	shalt  }
0x46: {  	_ =	shalt  }
0x47: {  	_ =	shalt  }
0x48: {  	_ =	shalt  }
0x49: {  	_ =	shalt  }
0x4a: {  	_ =	shalt  }
0x4b: {  	_ =	shalt  }
0x4c: {  	_ =	shalt  }
0x4d: {  	_ =	shalt  }
0x4e: {  	_ =	shalt  }
0x4f: {  	_ =	shalt  }
0x50: {  	_ =	shalt  }
0x51: {  	_ =	shalt  }
0x52: {  	_ =	shalt  }
0x53: {  	_ =	shalt  }
0x54: {  	_ =	shalt  }
0x55: {  	_ =	shalt  }
0x56: {  	_ =	shalt  }
0x57: {  	_ =	shalt  }
0x58: {  	_ =	shalt  }
0x59: {  	_ =	shalt  }
0x5a: {  	_ =	shalt  }
0x5b: {  	_ =	shalt  }
0x5c: {  	_ =	shalt  }
0x5d: {  	_ =	shalt  }
0x5e: {  	_ =	shalt  }
0x5f: {  	_ =	shalt  }
0x60: {  	_ =	shalt  }
0x61: {  	_ =	shalt  }
0x62: {  	_ =	shalt  }
0x63: {  	_ =	shalt  }
0x64: {  	_ =	shalt  }
0x65: {  	_ =	shalt  }
0x66: {  	_ =	shalt  }
0x67: {  	_ =	shalt  }
0x68: {  	_ =	shalt  }
0x69: {  	_ =	shalt  }
0x6a: {  	_ =	shalt  }
0x6b: {  	_ =	shalt  }
0x6c: {  	_ =	shalt  }
0x6d: {  	_ =	shalt  }
0x6e: {  	_ =	shalt  }
0x6f: {  	_ =	shalt  }
0x70: {  	_ =	shalt  }
0x71: {  	_ =	shalt  }
0x72: {  	_ =	shalt  }
0x73: {  	_ =	shalt  }
0x74: {  	_ =	shalt  }
0x75: {  	_ =	shalt  }
0x76: {  	_ =	shalt  }
0x77: {  	_ =	shalt  }
0x78: {  	_ =	shalt  }
0x79: {  	_ =	shalt  }
0x7a: {  	_ =	shalt  }
0x7b: {  	_ =	shalt  }
0x7c: {  	_ =	shalt  }
0x7d: {  	_ =	shalt  }
0x7e: {  	_ =	shalt  }
0x7f: {  	_ =	shalt  }
0x80: {  	_ =	shalt  }
0x81: {  	_ =	shalt  }
0x82: {  	_ =	shalt  }
0x83: {  	_ =	shalt  }
0x84: {  	_ =	shalt  }
0x85: {  	_ =	shalt  }
0x86: {  	_ =	shalt  }
0x87: {  	_ =	shalt  }
.Lfunc_end0:
.L_simem_size_0:
called_computation.1_lowered:
.L_overlay_start_0:
0x88: {  	s2 =	sld [smem:$0x3FD9]  }
0x89: {  	s3 =	sld [smem:$0x3FFE];
	_ =	sdelay $0x1  }
0x8a: {  	s1 =	srdreg.scid  }
0x8b: {  	s0 =	sand.u32 $0x1, s1  }
0x8c: {  	s17 =	sshll.u32 s0, $0xA;
	s2 =	sadd.s32 s3, s2  }
0x8d: {  	s2 =	sadd.s32 s2, s17  }
0x8e: {  	[smem:$0x3FC2] =	sst s2  }
0x8f: {  	_ = 	snop  }
0x90: {  	s18 =	sld [smem:$0x3FC8];
	(tm) =	ssettm $0x1  }
0x91: {  	s19 =	sld [smem:$0x3FFB];
	_ =	sdelay $0x3  }
0x92: {  	_ =	strace s19  }
0x93: {  	s2 =	sld [smem:$0x3FFC];
	_ =	sdelay $0x3  }
0x94: {  	_ =	strace s2  }
0x95: {  	s2 =	sld [smem:$0x3FFD];
	_ =	sdelay $0x3  }
0x96: {  	_ =	strace s2  }
0x97: {  	_ =	strace $0x8FFFFFFF  }
0x98: {  	s20 =	sld [smem:$0x3FDB];
	_ =	sdelay $0x1  }
0x99: {  	s4 =	simm.s32 $_scs_section_size  }
0x9a: {  	s5 =	simm.s32 $_size__tile_overlayer_lowered;
	s6 =	simm.s32 $_tile_overlayer_lowered  }
0x9b: {  	s7 =	simm.s32 $0x1BFF;
	s21 =	sshll.u32 s6, $0x1;
	s4 =	sadd.s32 s4, s20  }
0x9c: {  	s22 =	simm.s32 $0x0;
	s5 =	sshll.u32 s5, $0x1;
	s6 =	sadd.s32 s21, s4  }
0x9d: {  	[timem:s22], [sflag:s7] =	dma.local [hbm:s6], s5  }
0x9e: {  	_ =	swait.ge [sflag:s7], s5  }
0x9f: {  	s5 =	ssub.s32 $0x0, s5;
	[sflag:s7] =	ssyncset.done $0x0  }
0xa0: {  	[sflag:s7] =	ssyncadd.s32 s5;
	_ =	sdelay $0x1  }
0xa1: {  	s23 =	simm.s32 $0x1B8B  }
0xa2: {  	_ =	swait.ge [sflag:s23], $0x1  }
0xa3: {  	[sflag:s23] =	ssyncset.done $0x0  }
0xa4: {  	[sflag:s23] =	ssyncadd.s32 $0xFFFFFFFF  }
0xa5: {  	s5 =	sld [smem:$0x0]  }
0xa6: {  	s6 =	sand.u32 $0xFFFFFFFE, s1  }
0xa7: {  	p0 =	sne.s32 s1, s6  }
0xa8: {  	s6 =	sshll.u32 @p0 s6, $0xE  }
0xa9: {  	s6 =	sadd.s32 @p0 $0x11B8D, s6;
	s7 =	sshll.u32 @p0 s5, $0x11  }
0xaa: {  	s6 =	sor.u32 @p0 s7, s6  }
0xab: {  	[sflag:s6] =	ssyncadd.remote.s32 @p0 $0x1;
	_ =	sdelay $0x1  }
0xac: {  	s6 =	simm.s32 @p0 $0x1B8D  }
0xad: {  	_ =	swait.eq @p0 [sflag:s6], $0x1  }
0xae: {  	[sflag:s6] =	ssyncadd.s32 @p0 $0xFFFFFFFF  }
0xaf: {  	s7 =	sshll.u32 @!p0 s1, $0xE  }
0xb0: {  	s7 =	sor.u32 @!p0 $0x4000, s7;
	s6 =	simm.s32 @!p0 $0x1B8D  }
0xb1: {  	s5 =	sshll.u32 @!p0 s5, $0x11;
	s7 =	sadd.s32 @!p0 $0x11B8D, s7;
	_ =	swait.eq @!p0 [sflag:s6], $0x1  }
0xb2: {  	s5 =	sor.u32 @!p0 s5, s7;
	[sflag:s6] =	ssyncadd.s32 @!p0 $0xFFFFFFFF  }
0xb3: {  	s25 =	simm.s32 $0x1B8E;
	s24 =	sld [smem:$0x3FFE];
	[sflag:s5] =	ssyncadd.remote.s32 @!p0 $0x1  }
0xb4: {  	s26 =	simm.s32 $execute0_lowered;
	[smem:$0x3FD2] =	sst s25  }
0xb5: {  	s6 =	sshll.u32 s26, $0x1;
	_ =	strace $0x80000049;
	[dreg:$0x1] =	wrdreg $0xFFFFFFFF  }
0xb6: {  	s28 =	simm.s32 $_size_execute0_lowered;
	s4 =	sadd.s32 s4, s6;
	[dreg:$0x0] =	wrdreg $0x0  }
0xb7: {  	s6 =	sshll.u32 s28, $0x1;
	[dreg:$0x2] =	wrdreg s4  }
0xb8: {  	[dreg:$0x3] =	wrdreg s6  }
0xb9: {  	[dreg:$0x4] =	wrdreg $0xC0  }
0xba: {  	_ =	task [dreg:s22], $0x5FFFF  }
0xbb: {  	[dreg:$0x1] =	wrdreg $0xFFFFFFFF  }
0xbc: {  	[dreg:$0x0] =	wrdreg $0x60  }
0xbd: {  	[dreg:$0x2] =	wrdreg s18  }
0xbe: {  	[dreg:$0x3] =	wrdreg s24  }
0xbf: {  	[dreg:$0x4] =	wrdreg $0xA  }
0xc0: {  	_ =	task.clear_ibuf [dreg:s22], $0x5FFFF;
	_ =	strace $0x90000049  }
0xc1: {  	s29 =	simm.s32 $0xA;
	_ =	strace $0x8000004B  }
0xc2: {  	_ =	swait.ge [sflag:s29], $0x1  }
0xc3: {  	[sflag:s29] =	ssyncadd.s32 $0xFFFFFFFF  }
0xc4: {  	_ =	strace $0x9000004B  }
0xc5: {  	_ =	sfence  }
0xc6: {  	s30 =	sld [smem:$0x0];
	_ =	sdelay $0x2  }
0xc7: {  	s31 =	sshll.u32 s1, $0xD;
	s1 =	sshrl.u32 s1, $0x2  }
0xc8: {  	s4 =	sand.u32 $0x4000, s31;
	s1 =	sadd.s32 s1, s30  }
0xc9: {  	s0 =	sor.u32 s4, s0;
	s1 =	sshll.u32 s1, $0x11  }
0xca: {  	s0 =	sor.u32 s1, s0  }
0xcb: {  	s0 =	sadd.s32 $0x8F2B, s0  }
0xcc: {  	[sflag:s0] =	ssyncadd.remote.s32 $0x1  }
0xcd: {  	_ =	sfence.sel $0xFFFF  }
0xce: {  	[dreg:$0x0] =	wrdreg $0xFFFFFFFF;
	(pc) =	sbr.abs _section_cstart, $3  }
0xcf: {  	[dreg:$0x1] =	wrdreg $0xFFFFFFFF  }
0xd0: {  	_ =	task.clear_ibuf [dreg:s22], $0x2FFFF;
	_ =	strace $0x9FFFFFFF  }
0xd1: {  	(tm) =	ssettm $0x7FFFFFFF  }
tec
execute0_lowered:
.L_overlay_start_1:
0x0: {  	(tag) =	ssettag $0x1  }
0x1: {  	s1 =	srdreg.scid  }
0x2: {  	s2 =	rddreg [dreg:$0x0];
	s0 =	stileid.u32;
	s10 =	sand.u32 $0x1, s1  }
0x3: {  	s8 =	rddreg [dreg:$0x1];
	s4 =	sshll.u32 s0, $0xA;
	s5 =	sshll.u32 s10, $0x9  }
0x4: {  	s3 =	simm.s32 $0x0;
	s1 =	rddreg [dreg:$0x2];
	s9 =	sor.u32 s5, s4  }
0x5: {  	[smem:$0x7FF] =	sst s3;
	s11 =	sadd.s32 $0x2800, s8;
	s4 =	sshrl.u32 s9, $0x3  }
0x6: {  	_ =	strace $0x8000004A;
	s5 =	sadd.s32 s11, s4;
	s4 =	simm.s32 $0x2  }
0x7: {  	[tilespmem:s3], [sflag:$0x2] =	stream.linear.gather [hbm4b:s5+s3], $0x100, $0x38;
	[tilespmem:$0x8100] =	vst v63  }
0x8: {  	_ =	swait.ge [sflag:s4], $0x100  }
0x9: {  	[sflag:s4] =	ssyncset.done $0x0  }
0xa: {  	s6 =	simm.s32 $0x100;
	s7 =	simm.s32 $0x1;
	[sflag:s4] =	ssyncadd.s32 $0xFFFFFF00  }
0xb: {  	[tilespmem:s6], [sflag:$0x1] =	stream.indirect.gather [hbm4b:s2+s6], $0x80, s3, s6, $0xb8;
	[tilespmem:$0x8100] =	vst v63  }
0xc: {  	_ =	swait.ge [sflag:s7], $0x8000  }
0xd: {  	s12 =	sadd.s32 $0x3000, s8;
	s29 =	sshll.u32 s9, $0x4;
	[sflag:s7] =	ssyncset.done $0x0  }
0xe: {  	s8 =	sadd.s32 s12, s29;
	[sflag:s7] =	ssyncadd.s32 $0xFFFF8000  }
0xf: {  	[hbm4b:s8+s3] =	stream.linear.scatter [tilespmem:s6], [sflag:$0x2], $0x8000, $0x38;
	[tilespmem:$0x8100] =	vst v63  }
0x10: {  	s13 =	sor.u32 $0x100, s9;
	_ =	swait.ge [sflag:s4], $0x8000  }
0x11: {  	s9 =	sshrl.u32 s13, $0x3;
	[sflag:s4] =	ssyncset.done $0x0  }
0x12: {  	s10 =	ssub.s32 $0x2, s10;
	s9 =	sadd.s32 s11, s9;
	[sflag:s4] =	ssyncadd.s32 $0xFFFF8000  }
0x13: {  	[tilespmem:s3], [sflag:$0x2] =	stream.linear.gather [hbm4b:s9+s3], $0x100, $0x38;
	[tilespmem:$0x8100] =	vst v63  }
0x14: {  	s30 =	sshrl.u32 s10, $0x1;
	_ =	swait.ge [sflag:s4], $0x100  }
0x15: {  	s11 =	ssub.s32 s10, s30;
	[sflag:s4] =	ssyncset.done $0x0  }
0x16: {  	s11 =	smax.u32 s11, $0x1;
	[sflag:s4] =	ssyncadd.s32 $0xFFFFFF00  }
0x17: {  	[tilespmem:s6], [sflag:$0x1] =	stream.indirect.gather [hbm4b:s2+s6], $0x80, s3, s6, $0xb8;
	[tilespmem:$0x8100] =	vst v63  }
0x18: {  	p0 =	sne.s32 s11, $0x1;
	_ =	swait.ge [sflag:s7], $0x8000  }
.Ltmp0:
0x19: {  	s31 =	sshll.u32 s13, $0x4;
	[sflag:s7] =	ssyncset.done $0x0;
	(pc) =	sbr.rel @!p0 .LBB2_2-.Ltmp0, $4  }
0x1a: {  	s10 =	sadd.s32 s12, s31;
	[sflag:s7] =	ssyncadd.s32 $0xFFFF8000  }
0x1b: {  	[hbm4b:s10+s3] =	stream.linear.scatter [tilespmem:s6], [sflag:$0x2], $0x8000, $0x38;
	[tilespmem:$0x8100] =	vst v63  }
0x1c: {  	_ =	swait.ge [sflag:s4], $0x8000  }
0x1d: {  	s11 =	sadd.s32 $0xFFFFFFFF, s11;
	[sflag:s4] =	ssyncset.done $0x0  }
.LBB2_1:
0x1e: {  	p0 =	sne.s32 s11, $0x1;
	s11 =	sadd.s32 $0xFFFFFFFF, s11;
	[sflag:s4] =	ssyncadd.s32 $0xFFFF8000  }
0x1f: {  	[tilespmem:s3], [sflag:$0x2] =	stream.linear.gather [hbm4b:s5+s3], $0x100, $0x38;
	[tilespmem:$0x8100] =	vst v63  }
0x20: {  	_ =	swait.ge [sflag:s4], $0x100  }
0x21: {  	[sflag:s4] =	ssyncset.done $0x0  }
0x22: {  	[sflag:s4] =	ssyncadd.s32 $0xFFFFFF00  }
0x23: {  	[tilespmem:s6], [sflag:$0x1] =	stream.indirect.gather [hbm4b:s2+s6], $0x80, s3, s6, $0xb8;
	[tilespmem:$0x8100] =	vst v63  }
0x24: {  	_ =	swait.ge [sflag:s7], $0x8000  }
0x25: {  	[sflag:s7] =	ssyncset.done $0x0  }
0x26: {  	[sflag:s7] =	ssyncadd.s32 $0xFFFF8000  }
0x27: {  	[hbm4b:s8+s3] =	stream.linear.scatter [tilespmem:s6], [sflag:$0x2], $0x8000, $0x38;
	[tilespmem:$0x8100] =	vst v63  }
0x28: {  	_ =	swait.ge [sflag:s4], $0x8000  }
0x29: {  	[sflag:s4] =	ssyncset.done $0x0  }
0x2a: {  	[sflag:s4] =	ssyncadd.s32 $0xFFFF8000  }
0x2b: {  	[tilespmem:s3], [sflag:$0x2] =	stream.linear.gather [hbm4b:s9+s3], $0x100, $0x38;
	[tilespmem:$0x8100] =	vst v63  }
0x2c: {  	_ =	swait.ge [sflag:s4], $0x100  }
0x2d: {  	[sflag:s4] =	ssyncset.done $0x0  }
0x2e: {  	[sflag:s4] =	ssyncadd.s32 $0xFFFFFF00  }
0x2f: {  	[tilespmem:s6], [sflag:$0x1] =	stream.indirect.gather [hbm4b:s2+s6], $0x80, s3, s6, $0xb8;
	[tilespmem:$0x8100] =	vst v63  }
0x30: {  	_ =	swait.ge [sflag:s7], $0x8000  }
.Ltmp1:
0x31: {  	[sflag:s7] =	ssyncset.done $0x0;
	(pc) =	sbr.rel @p0 .LBB2_1-.Ltmp1, $4  }
0x32: {  	[sflag:s7] =	ssyncadd.s32 $0xFFFF8000  }
0x33: {  	[hbm4b:s10+s3] =	stream.linear.scatter [tilespmem:s6], [sflag:$0x2], $0x8000, $0x38;
	[tilespmem:$0x8100] =	vst v63  }
0x34: {  	_ =	swait.ge [sflag:s4], $0x8000  }
0x35: {  	[sflag:s4] =	ssyncset.done $0x0  }
.LBB2_2:
0x36: {  	[sflag:s4] =	ssyncadd.s32 $0xFFFF8000  }
0x37: {  	_ =	sfence.sel $0x180000  }
0x38: {  	[bflag:$0x0] =	sbarrier.arrive $0xFFFF  }
0x39: {  	p0 =	sne.s32 s0, $0x0;
	_ =	strace $0x9000004A  }
0x3a: {  	s0 =	sadd.s32 @!p0 $0x100000, s1;
	[bflag:$0x2] =	sbarrier.arrive $0xFFFF  }
0x3b: {  	[sflag:s0] =	ssyncadd.tile.s32 @!p0 $0x1;
	_ =	shalt  }
.Lfunc_end2:
_tile_overlayer_lowered:
.L_overlay_start_2:
0x3c: {  	(tag) =	ssettag $0x2  }
0x3d: {  	s0 =	rddreg [dreg:$0x0];
	s2 =	stileid.u32  }
0x3e: {  	s1 =	rddreg [dreg:$0x1];
	p0 =	sne.s32 s2, $0x0  }
0x3f: {  	s3 =	rddreg [dreg:$0x2];
	[bflag:$0x3] =	sbarrier.arrive $0xFFFF;
	s2 =	simm.s32 @!p0 $0x1C02  }
0x40: {  	[timem:s3], [sflag:s2] =	dma.local @!p0 [hbm:s0], s1  }
0x41: {  	s0 =	simm.s32 @!p0 $0x2  }
0x42: {  	_ =	swait.ge @!p0 [sflag:s0], s1  }
0x43: {  	s1 =	ssub.s32 @!p0 $0x0, s1;
	[sflag:s0] =	ssyncset.done @!p0 $0x0  }
0x44: {  	[sflag:s0] =	ssyncadd.s32 @!p0 s1  }
0x45: {  	[bflag:$0x3] =	sbarrier.arrive $0xFFFF  }
0x46: {  	_ =	shalt  }

// kernel: kernel.17.cloned.1.call-start
scs
__scs_entry_jumppad:
0x0: {  	(pc) =	sbr.rel $0x88, $3  }
0x1: {  	(tag) =	ssettag $0x0;
	lr =	simm.s32 $0x1  }
0x2: {  	[smem:$0x3F9B] =	sst lr;
	_ =	strace $0xD0000000  }
0x3: {  	_ = 	snop  }
0x4: {  	_ = 	snop  }
0x5: {  	_ = 	snop  }
0x6: {  	_ = 	snop  }
0x7: {  	_ = 	snop  }
__scs_overlays_trampoline_lowered:
0x8: {  	[smem:$0x3FAA] =	sst s0  }
0x9: {  	[smem:$0x3FAB] =	sst s1  }
0xa: {  	[smem:$0x3FAC] =	sst s2  }
0xb: {  	[smem:$0x3FAD] =	sst s3  }
0xc: {  	[smem:$0x3FAE] =	sst s4  }
0xd: {  	[smem:$0x3FAF] =	sst s5  }
0xe: {  	[smem:$0x3FB0] =	sst s6  }
0xf: {  	[smem:$0x3FB1] =	sst s7  }
0x10: {  	[smem:$0x3FB2] =	sst s8  }
0x11: {  	[smem:$0x3FB3] =	sst s9;
	s0 =	simm.s32 @!p0 $0x0  }
0x12: {  	s1 =	sld [smem:$0x3F99];
	s0 =	simm.s32 @p0 $0x1  }
0x13: {  	[smem:$0x3FB4] =	sst s0;
	s0 =	simm.s32 @!p1 $0x0  }
0x14: {  	s2 =	sld [smem:$0x3F98];
	s0 =	simm.s32 @p1 $0x1  }
0x15: {  	[smem:$0x3FB5] =	sst s0;
	s0 =	simm.s32 @!p2 $0x0  }
0x16: {  	s3 =	sld [smem:$0x3FDB];
	s0 =	simm.s32 @p2 $0x1  }
0x17: {  	s4 =	simm.s32 $0x1BF5;
	[smem:$0x3FB7] =	sst s0  }
0x18: {  	s0 =	sld [smem:$0x3F9A];
	_ =	swait.ge [sflag:s4], $0x0  }
0x19: {  	s7 =	sld [smem:$0x3F9B]  }
0x1a: {  	s8 =	sadd.s32 $0xFFFFE003, lr  }
0x1b: {  	s9 =	sadd.s32 $0xFFFFFEF7, lr;
	s5 =	simm.s32 $0xFFFFFFFF;
	p2 =	slt.u32 s8, $0xFFFFF086  }
0x1c: {  	p1 =	slt.u32 s9, $0xF7A;
	s5 =	simm.s32 @!p2 $0x0  }
0x1d: {  	s5 =	simm.s32 @p1 $0x1;
	p0 =	seq.s32 s7, s2  }
0x1e: {  	s7 =	smul.u32 @!p0 $0xF7A, s2;
	p2 =	seq.s32 @!p0 s5, $0x0  }
0x1f: {  	s9 =	smul.u32 $0xF7A, s1;
	s8 =	simm.s32 @!p0 $0x1BF5;
	p2 =	por !p2, p0  }
0x20: {  	[sflag:s8] =	ssyncset.s32 @!p0 $0xFFFFF086;
	s6 =	sadd.s32 @!p0 s3, s7;
	s7 =	simm.s32 @!p0 $0x108  }
0x21: {  	s3 =	sadd.s32 s3, s9;
	s6 =	sadd.s32 @!p0 $0x88, s6;
	s7 =	simm.s32 @p2 $0x1082  }
0x22: {  	[simem:s7], [sflag:s8] =	dma.local @!p0 [hbm:s6], $0xF7A  }
0x23: {  	s9 =	sor.u32 $0xD0000000, s2;
	s6 =	simm.s32 $0x108;
	_ =	swait.ge @!p0 [sflag:s8], $0x0  }
0x24: {  	s3 =	sadd.s32 $0x88, s3;
	s6 =	simm.s32 @!p1 $0x1082;
	[sflag:s4] =	ssyncset.s32 $0xFFFFF086  }
0x25: {  	[simem:s6], [sflag:s4] =	dma.local [hbm:s3], $0xF7A  }
0x26: {  	[smem:$0x3F9B] =	sst s1;
	(tag) =	ssettag s2;
	_ =	strace s9  }
0x27: {  	s1 =	sld [smem:$0x3FAB]  }
0x28: {  	s2 =	sld [smem:$0x3FAC]  }
0x29: {  	s4 =	sld [smem:$0x3FAE]  }
0x2a: {  	p0 =	seq.s32 s5, $0x0;
	s5 =	sld [smem:$0x3FAF]  }
0x2b: {  	s6 =	sld [smem:$0x3FB0]  }
0x2c: {  	s7 =	sld [smem:$0x3FB1]  }
0x2d: {  	s3 =	simm.s32 $0x108;
	s8 =	sld [smem:$0x3FB2]  }
0x2e: {  	s3 =	simm.s32 @!p0 $0x1082;
	s9 =	sld [smem:$0x3FB3]  }
0x2f: {  	lr =	sadd.s32 s0, s3;
	s0 =	sld [smem:$0x3FAA]  }
0x30: {  	s3 =	sld [smem:$0x3FAD]  }
0x31: {  	[smem:$0x3FB6] =	sst s10  }
0x32: {  	s10 =	sld [smem:$0x3FB4];
	_ =	sdelay $0x3  }
0x33: {  	p0 =	seq.s32 s10, $0x1;
	s10 =	sld [smem:$0x3FB6];
	_ =	sdelay $0x3  }
0x34: {  	[smem:$0x3FB6] =	sst s10  }
0x35: {  	s10 =	sld [smem:$0x3FB5];
	_ =	sdelay $0x3  }
0x36: {  	p1 =	seq.s32 s10, $0x1;
	s10 =	sld [smem:$0x3FB6];
	_ =	sdelay $0x3  }
0x37: {  	[smem:$0x3FB6] =	sst s10  }
0x38: {  	s10 =	sld [smem:$0x3FB7]  }
0x39: {  	_ = 	snop;
	(pc) =	sbr.ind lr, $3  }
0x3a: {  	_ = 	snop  }
0x3b: {  	_ = 	snop  }
0x3c: {  	p2 =	seq.s32 s10, $0x1;
	s10 =	sld [smem:$0x3FB6]  }
0x3d: {  	_ =	shalt  }
0x3e: {  	_ =	shalt  }
0x3f: {  	_ =	shalt  }
0x40: {  	_ =	shalt  }
0x41: {  	_ =	shalt  }
0x42: {  	_ =	shalt  }
0x43: {  	_ =	shalt  }
0x44: {  	_ =	shalt  }
0x45: {  	_ =	shalt  }
0x46: {  	_ =	shalt  }
0x47: {  	_ =	shalt  }
0x48: {  	_ =	shalt  }
0x49: {  	_ =	shalt  }
0x4a: {  	_ =	shalt  }
0x4b: {  	_ =	shalt  }
0x4c: {  	_ =	shalt  }
0x4d: {  	_ =	shalt  }
0x4e: {  	_ =	shalt  }
0x4f: {  	_ =	shalt  }
0x50: {  	_ =	shalt  }
0x51: {  	_ =	shalt  }
0x52: {  	_ =	shalt  }
0x53: {  	_ =	shalt  }
0x54: {  	_ =	shalt  }
0x55: {  	_ =	shalt  }
0x56: {  	_ =	shalt  }
0x57: {  	_ =	shalt  }
0x58: {  	_ =	shalt  }
0x59: {  	_ =	shalt  }
0x5a: {  	_ =	shalt  }
0x5b: {  	_ =	shalt  }
0x5c: {  	_ =	shalt  }
0x5d: {  	_ =	shalt  }
0x5e: {  	_ =	shalt  }
0x5f: {  	_ =	shalt  }
0x60: {  	_ =	shalt  }
0x61: {  	_ =	shalt  }
0x62: {  	_ =	shalt  }
0x63: {  	_ =	shalt  }
0x64: {  	_ =	shalt  }
0x65: {  	_ =	shalt  }
0x66: {  	_ =	shalt  }
0x67: {  	_ =	shalt  }
0x68: {  	_ =	shalt  }
0x69: {  	_ =	shalt  }
0x6a: {  	_ =	shalt  }
0x6b: {  	_ =	shalt  }
0x6c: {  	_ =	shalt  }
0x6d: {  	_ =	shalt  }
0x6e: {  	_ =	shalt  }
0x6f: {  	_ =	shalt  }
0x70: {  	_ =	shalt  }
0x71: {  	_ =	shalt  }
0x72: {  	_ =	shalt  }
0x73: {  	_ =	shalt  }
0x74: {  	_ =	shalt  }
0x75: {  	_ =	shalt  }
0x76: {  	_ =	shalt  }
0x77: {  	_ =	shalt  }
0x78: {  	_ =	shalt  }
0x79: {  	_ =	shalt  }
0x7a: {  	_ =	shalt  }
0x7b: {  	_ =	shalt  }
0x7c: {  	_ =	shalt  }
0x7d: {  	_ =	shalt  }
0x7e: {  	_ =	shalt  }
0x7f: {  	_ =	shalt  }
0x80: {  	_ =	shalt  }
0x81: {  	_ =	shalt  }
0x82: {  	_ =	shalt  }
0x83: {  	_ =	shalt  }
0x84: {  	_ =	shalt  }
0x85: {  	_ =	shalt  }
0x86: {  	_ =	shalt  }
0x87: {  	_ =	shalt  }
.Lfunc_end0:
.L_simem_size_0:
called_computation.2_lowered:
.L_overlay_start_0:
0x88: {  	s2 =	sld [smem:$0x3FD9]  }
0x89: {  	s3 =	sld [smem:$0x3FFE];
	_ =	sdelay $0x1  }
0x8a: {  	s1 =	srdreg.scid  }
0x8b: {  	s0 =	sand.u32 $0x1, s1  }
0x8c: {  	s17 =	sshll.u32 s0, $0xA;
	s2 =	sadd.s32 s3, s2  }
0x8d: {  	s2 =	sadd.s32 s2, s17  }
0x8e: {  	[smem:$0x3FC2] =	sst s2  }
0x8f: {  	_ = 	snop  }
0x90: {  	s18 =	sld [smem:$0x3FC8];
	(tm) =	ssettm $0x1  }
0x91: {  	s19 =	sld [smem:$0x3FFB];
	_ =	sdelay $0x3  }
0x92: {  	_ =	strace s19  }
0x93: {  	s2 =	sld [smem:$0x3FFC];
	_ =	sdelay $0x3  }
0x94: {  	_ =	strace s2  }
0x95: {  	s2 =	sld [smem:$0x3FFD];
	_ =	sdelay $0x3  }
0x96: {  	_ =	strace s2  }
0x97: {  	_ =	strace $0x8FFFFFFF  }
0x98: {  	s20 =	sld [smem:$0x3FDB];
	_ =	sdelay $0x1  }
0x99: {  	s4 =	simm.s32 $_scs_section_size  }
0x9a: {  	s5 =	simm.s32 $_size__tile_overlayer_lowered;
	s6 =	simm.s32 $_tile_overlayer_lowered  }
0x9b: {  	s7 =	simm.s32 $0x1BFF;
	s21 =	sshll.u32 s6, $0x1;
	s4 =	sadd.s32 s4, s20  }
0x9c: {  	s22 =	simm.s32 $0x0;
	s5 =	sshll.u32 s5, $0x1;
	s6 =	sadd.s32 s21, s4  }
0x9d: {  	[timem:s22], [sflag:s7] =	dma.local [hbm:s6], s5  }
0x9e: {  	_ =	swait.ge [sflag:s7], s5  }
0x9f: {  	s5 =	ssub.s32 $0x0, s5;
	[sflag:s7] =	ssyncset.done $0x0  }
0xa0: {  	[sflag:s7] =	ssyncadd.s32 s5;
	_ =	sdelay $0x1  }
0xa1: {  	s23 =	simm.s32 $0x1B8B  }
0xa2: {  	_ =	swait.ge [sflag:s23], $0x1  }
0xa3: {  	[sflag:s23] =	ssyncset.done $0x0  }
0xa4: {  	[sflag:s23] =	ssyncadd.s32 $0xFFFFFFFF  }
0xa5: {  	s5 =	sld [smem:$0x0]  }
0xa6: {  	s6 =	sand.u32 $0xFFFFFFFE, s1  }
0xa7: {  	p0 =	sne.s32 s1, s6  }
0xa8: {  	s6 =	sshll.u32 @p0 s6, $0xE  }
0xa9: {  	s6 =	sadd.s32 @p0 $0x11B8D, s6;
	s7 =	sshll.u32 @p0 s5, $0x11  }
0xaa: {  	s6 =	sor.u32 @p0 s7, s6  }
0xab: {  	[sflag:s6] =	ssyncadd.remote.s32 @p0 $0x1;
	_ =	sdelay $0x1  }
0xac: {  	s6 =	simm.s32 @p0 $0x1B8D  }
0xad: {  	_ =	swait.eq @p0 [sflag:s6], $0x1  }
0xae: {  	[sflag:s6] =	ssyncadd.s32 @p0 $0xFFFFFFFF  }
0xaf: {  	s7 =	sshll.u32 @!p0 s1, $0xE  }
0xb0: {  	s7 =	sor.u32 @!p0 $0x4000, s7;
	s6 =	simm.s32 @!p0 $0x1B8D  }
0xb1: {  	s5 =	sshll.u32 @!p0 s5, $0x11;
	s7 =	sadd.s32 @!p0 $0x11B8D, s7;
	_ =	swait.eq @!p0 [sflag:s6], $0x1  }
0xb2: {  	s5 =	sor.u32 @!p0 s5, s7;
	[sflag:s6] =	ssyncadd.s32 @!p0 $0xFFFFFFFF  }
0xb3: {  	s25 =	simm.s32 $0x1B8E;
	s24 =	sld [smem:$0x3FFE];
	[sflag:s5] =	ssyncadd.remote.s32 @!p0 $0x1  }
0xb4: {  	s26 =	simm.s32 $execute0_lowered;
	[smem:$0x3FD2] =	sst s25  }
0xb5: {  	s6 =	sshll.u32 s26, $0x1;
	_ =	strace $0x8000004C;
	[dreg:$0x1] =	wrdreg $0xFFFFFFFF  }
0xb6: {  	s28 =	simm.s32 $_size_execute0_lowered;
	s4 =	sadd.s32 s4, s6;
	[dreg:$0x0] =	wrdreg $0x0  }
0xb7: {  	s6 =	sshll.u32 s28, $0x1;
	[dreg:$0x2] =	wrdreg s4  }
0xb8: {  	[dreg:$0x3] =	wrdreg s6  }
0xb9: {  	[dreg:$0x4] =	wrdreg $0xC0  }
0xba: {  	_ =	task [dreg:s22], $0x5FFFF  }
0xbb: {  	[dreg:$0x1] =	wrdreg $0xFFFFFFFF  }
0xbc: {  	[dreg:$0x0] =	wrdreg $0x60  }
0xbd: {  	[dreg:$0x2] =	wrdreg s18  }
0xbe: {  	[dreg:$0x3] =	wrdreg s24  }
0xbf: {  	[dreg:$0x4] =	wrdreg $0xB  }
0xc0: {  	_ =	task.clear_ibuf [dreg:s22], $0x5FFFF;
	_ =	strace $0x9000004C  }
0xc1: {  	s29 =	simm.s32 $0xB;
	_ =	strace $0x8000004E  }
0xc2: {  	_ =	swait.ge [sflag:s29], $0x1  }
0xc3: {  	[sflag:s29] =	ssyncadd.s32 $0xFFFFFFFF  }
0xc4: {  	_ =	strace $0x9000004E  }
0xc5: {  	_ =	sfence  }
0xc6: {  	s30 =	sld [smem:$0x0];
	_ =	sdelay $0x2  }
0xc7: {  	s31 =	sshll.u32 s1, $0xD;
	s1 =	sshrl.u32 s1, $0x2  }
0xc8: {  	s4 =	sand.u32 $0x4000, s31;
	s1 =	sadd.s32 s1, s30  }
0xc9: {  	s0 =	sor.u32 s4, s0;
	s1 =	sshll.u32 s1, $0x11  }
0xca: {  	s0 =	sor.u32 s1, s0  }
0xcb: {  	s0 =	sadd.s32 $0x8F2B, s0  }
0xcc: {  	[sflag:s0] =	ssyncadd.remote.s32 $0x1  }
0xcd: {  	_ =	sfence.sel $0xFFFF  }
0xce: {  	[dreg:$0x0] =	wrdreg $0xFFFFFFFF;
	(pc) =	sbr.abs _section_cstart, $3  }
0xcf: {  	[dreg:$0x1] =	wrdreg $0xFFFFFFFF  }
0xd0: {  	_ =	task.clear_ibuf [dreg:s22], $0x2FFFF;
	_ =	strace $0x9FFFFFFF  }
0xd1: {  	(tm) =	ssettm $0x7FFFFFFF  }
tec
execute0_lowered:
.L_overlay_start_1:
0x0: {  	(tag) =	ssettag $0x1  }
0x1: {  	s1 =	srdreg.scid;
	s0 =	stileid.u32  }
0x2: {  	s12 =	sand.u32 $0x1, s1;
	s28 =	sshll.u32 s0, $0x1  }
0x3: {  	s2 =	rddreg [dreg:$0x0];
	s8 =	sor.u32 s12, s28  }
0x4: {  	s9 =	rddreg [dreg:$0x1];
	s11 =	smul.u32 $0x300, s8  }
0x5: {  	s3 =	simm.s32 $0x0;
	s1 =	rddreg [dreg:$0x2]  }
0x6: {  	[smem:$0x7FF] =	sst s3;
	s13 =	sadd.s32 $0x43000, s9;
	s4 =	sshrl.u32 s11, $0x3  }
0x7: {  	_ =	strace $0x8000004D;
	s5 =	sadd.s32 s13, s4;
	s4 =	simm.s32 $0x2  }
0x8: {  	[tilespmem:s3], [sflag:$0x2] =	stream.linear.gather [hbm4b:s5+s3], $0x100, $0x38;
	[tilespmem:$0x8100] =	vst v63  }
0x9: {  	_ =	swait.ge [sflag:s4], $0x100  }
0xa: {  	[sflag:s4] =	ssyncset.done $0x0  }
0xb: {  	s6 =	simm.s32 $0x100;
	s7 =	simm.s32 $0x1;
	[sflag:s4] =	ssyncadd.s32 $0xFFFFFF00  }
0xc: {  	[tilespmem:s6], [sflag:$0x1] =	stream.indirect.gather [hbm4b:s2+s6], $0x80, s3, s6, $0xb8;
	[tilespmem:$0x8100] =	vst v63  }
0xd: {  	s8 =	smul.u32 $0x3000, s8;
	_ =	swait.ge [sflag:s7], $0x8000  }
0xe: {  	s14 =	sadd.s32 $0x43C00, s9;
	[sflag:s7] =	ssyncset.done $0x0  }
0xf: {  	s8 =	sadd.s32 s14, s8;
	[sflag:s7] =	ssyncadd.s32 $0xFFFF8000  }
0x10: {  	[hbm4b:s8+s3] =	stream.linear.scatter [tilespmem:s6], [sflag:$0x2], $0x8000, $0x38;
	[tilespmem:$0x8100] =	vst v63  }
0x11: {  	s10 =	sadd.s32 $0x100, s11;
	_ =	swait.ge [sflag:s4], $0x8000  }
0x12: {  	s29 =	sshrl.u32 s10, $0x3;
	[sflag:s4] =	ssyncset.done $0x0  }
0x13: {  	s9 =	sadd.s32 s13, s29;
	[sflag:s4] =	ssyncadd.s32 $0xFFFF8000  }
0x14: {  	[tilespmem:s3], [sflag:$0x2] =	stream.linear.gather [hbm4b:s9+s3], $0x100, $0x38;
	[tilespmem:$0x8100] =	vst v63  }
0x15: {  	_ =	swait.ge [sflag:s4], $0x100  }
0x16: {  	[sflag:s4] =	ssyncset.done $0x0  }
0x17: {  	[sflag:s4] =	ssyncadd.s32 $0xFFFFFF00  }
0x18: {  	[tilespmem:s6], [sflag:$0x1] =	stream.indirect.gather [hbm4b:s2+s6], $0x80, s3, s6, $0xb8;
	[tilespmem:$0x8100] =	vst v63  }
0x19: {  	_ =	swait.ge [sflag:s7], $0x8000  }
0x1a: {  	s10 =	sshll.u32 s10, $0x4;
	[sflag:s7] =	ssyncset.done $0x0  }
0x1b: {  	s10 =	sadd.s32 s14, s10;
	[sflag:s7] =	ssyncadd.s32 $0xFFFF8000  }
0x1c: {  	[hbm4b:s10+s3] =	stream.linear.scatter [tilespmem:s6], [sflag:$0x2], $0x8000, $0x38;
	[tilespmem:$0x8100] =	vst v63  }
0x1d: {  	s15 =	sadd.s32 $0x200, s11;
	_ =	swait.ge [sflag:s4], $0x8000  }
0x1e: {  	s11 =	sshrl.u32 s15, $0x3;
	[sflag:s4] =	ssyncset.done $0x0  }
0x1f: {  	s12 =	ssub.s32 $0x2, s12;
	s11 =	sadd.s32 s13, s11;
	[sflag:s4] =	ssyncadd.s32 $0xFFFF8000  }
0x20: {  	[tilespmem:s3], [sflag:$0x2] =	stream.linear.gather [hbm4b:s11+s3], $0x100, $0x38;
	[tilespmem:$0x8100] =	vst v63  }
0x21: {  	s30 =	sshrl.u32 s12, $0x1;
	_ =	swait.ge [sflag:s4], $0x100  }
0x22: {  	s13 =	ssub.s32 s12, s30;
	[sflag:s4] =	ssyncset.done $0x0  }
0x23: {  	s13 =	smax.u32 s13, $0x1;
	[sflag:s4] =	ssyncadd.s32 $0xFFFFFF00  }
0x24: {  	[tilespmem:s6], [sflag:$0x1] =	stream.indirect.gather [hbm4b:s2+s6], $0x80, s3, s6, $0xb8;
	[tilespmem:$0x8100] =	vst v63  }
0x25: {  	p0 =	sne.s32 s13, $0x1;
	_ =	swait.ge [sflag:s7], $0x8000  }
.Ltmp0:
0x26: {  	s31 =	sshll.u32 s15, $0x4;
	[sflag:s7] =	ssyncset.done $0x0;
	(pc) =	sbr.rel @!p0 .LBB2_2-.Ltmp0, $4  }
0x27: {  	s12 =	sadd.s32 s14, s31;
	[sflag:s7] =	ssyncadd.s32 $0xFFFF8000  }
0x28: {  	[hbm4b:s12+s3] =	stream.linear.scatter [tilespmem:s6], [sflag:$0x2], $0x8000, $0x38;
	[tilespmem:$0x8100] =	vst v63  }
0x29: {  	_ =	swait.ge [sflag:s4], $0x8000  }
0x2a: {  	s13 =	sadd.s32 $0xFFFFFFFF, s13;
	[sflag:s4] =	ssyncset.done $0x0  }
.LBB2_1:
0x2b: {  	p0 =	sne.s32 s13, $0x1;
	s13 =	sadd.s32 $0xFFFFFFFF, s13;
	[sflag:s4] =	ssyncadd.s32 $0xFFFF8000  }
0x2c: {  	[tilespmem:s3], [sflag:$0x2] =	stream.linear.gather [hbm4b:s5+s3], $0x100, $0x38;
	[tilespmem:$0x8100] =	vst v63  }
0x2d: {  	_ =	swait.ge [sflag:s4], $0x100  }
0x2e: {  	[sflag:s4] =	ssyncset.done $0x0  }
0x2f: {  	[sflag:s4] =	ssyncadd.s32 $0xFFFFFF00  }
0x30: {  	[tilespmem:s6], [sflag:$0x1] =	stream.indirect.gather [hbm4b:s2+s6], $0x80, s3, s6, $0xb8;
	[tilespmem:$0x8100] =	vst v63  }
0x31: {  	_ =	swait.ge [sflag:s7], $0x8000  }
0x32: {  	[sflag:s7] =	ssyncset.done $0x0  }
0x33: {  	[sflag:s7] =	ssyncadd.s32 $0xFFFF8000  }
0x34: {  	[hbm4b:s8+s3] =	stream.linear.scatter [tilespmem:s6], [sflag:$0x2], $0x8000, $0x38;
	[tilespmem:$0x8100] =	vst v63  }
0x35: {  	_ =	swait.ge [sflag:s4], $0x8000  }
0x36: {  	[sflag:s4] =	ssyncset.done $0x0  }
0x37: {  	[sflag:s4] =	ssyncadd.s32 $0xFFFF8000  }
0x38: {  	[tilespmem:s3], [sflag:$0x2] =	stream.linear.gather [hbm4b:s9+s3], $0x100, $0x38;
	[tilespmem:$0x8100] =	vst v63  }
0x39: {  	_ =	swait.ge [sflag:s4], $0x100  }
0x3a: {  	[sflag:s4] =	ssyncset.done $0x0  }
0x3b: {  	[sflag:s4] =	ssyncadd.s32 $0xFFFFFF00  }
0x3c: {  	[tilespmem:s6], [sflag:$0x1] =	stream.indirect.gather [hbm4b:s2+s6], $0x80, s3, s6, $0xb8;
	[tilespmem:$0x8100] =	vst v63  }
0x3d: {  	_ =	swait.ge [sflag:s7], $0x8000  }
0x3e: {  	[sflag:s7] =	ssyncset.done $0x0  }
0x3f: {  	[sflag:s7] =	ssyncadd.s32 $0xFFFF8000  }
0x40: {  	[hbm4b:s10+s3] =	stream.linear.scatter [tilespmem:s6], [sflag:$0x2], $0x8000, $0x38;
	[tilespmem:$0x8100] =	vst v63  }
0x41: {  	_ =	swait.ge [sflag:s4], $0x8000  }
0x42: {  	[sflag:s4] =	ssyncset.done $0x0  }
0x43: {  	[sflag:s4] =	ssyncadd.s32 $0xFFFF8000  }
0x44: {  	[tilespmem:s3], [sflag:$0x2] =	stream.linear.gather [hbm4b:s11+s3], $0x100, $0x38;
	[tilespmem:$0x8100] =	vst v63  }
0x45: {  	_ =	swait.ge [sflag:s4], $0x100  }
0x46: {  	[sflag:s4] =	ssyncset.done $0x0  }
0x47: {  	[sflag:s4] =	ssyncadd.s32 $0xFFFFFF00  }
0x48: {  	[tilespmem:s6], [sflag:$0x1] =	stream.indirect.gather [hbm4b:s2+s6], $0x80, s3, s6, $0xb8;
	[tilespmem:$0x8100] =	vst v63  }
0x49: {  	_ =	swait.ge [sflag:s7], $0x8000  }
.Ltmp1:
0x4a: {  	[sflag:s7] =	ssyncset.done $0x0;
	(pc) =	sbr.rel @p0 .LBB2_1-.Ltmp1, $4  }
0x4b: {  	[sflag:s7] =	ssyncadd.s32 $0xFFFF8000  }
0x4c: {  	[hbm4b:s12+s3] =	stream.linear.scatter [tilespmem:s6], [sflag:$0x2], $0x8000, $0x38;
	[tilespmem:$0x8100] =	vst v63  }
0x4d: {  	_ =	swait.ge [sflag:s4], $0x8000  }
0x4e: {  	[sflag:s4] =	ssyncset.done $0x0  }
.LBB2_2:
0x4f: {  	[sflag:s4] =	ssyncadd.s32 $0xFFFF8000  }
0x50: {  	_ =	sfence.sel $0x180000  }
0x51: {  	[bflag:$0x0] =	sbarrier.arrive $0xFFFF  }
0x52: {  	p0 =	sne.s32 s0, $0x0;
	_ =	strace $0x9000004D  }
0x53: {  	s0 =	sadd.s32 @!p0 $0x100000, s1;
	[bflag:$0x2] =	sbarrier.arrive $0xFFFF  }
0x54: {  	[sflag:s0] =	ssyncadd.tile.s32 @!p0 $0x1;
	_ =	shalt  }
.Lfunc_end2:
_tile_overlayer_lowered:
.L_overlay_start_2:
0x55: {  	(tag) =	ssettag $0x2  }
0x56: {  	s0 =	rddreg [dreg:$0x0];
	s2 =	stileid.u32  }
0x57: {  	s1 =	rddreg [dreg:$0x1];
	p0 =	sne.s32 s2, $0x0  }
0x58: {  	s3 =	rddreg [dreg:$0x2];
	[bflag:$0x3] =	sbarrier.arrive $0xFFFF;
	s2 =	simm.s32 @!p0 $0x1C02  }
0x59: {  	[timem:s3], [sflag:s2] =	dma.local @!p0 [hbm:s0], s1  }
0x5a: {  	s0 =	simm.s32 @!p0 $0x2  }
0x5b: {  	_ =	swait.ge @!p0 [sflag:s0], s1  }
0x5c: {  	s1 =	ssub.s32 @!p0 $0x0, s1;
	[sflag:s0] =	ssyncset.done @!p0 $0x0  }
0x5d: {  	[sflag:s0] =	ssyncadd.s32 @!p0 s1  }
0x5e: {  	[bflag:$0x3] =	sbarrier.arrive $0xFFFF  }
0x5f: {  	_ =	shalt  }

// kernel: kernel.20.cloned.1.call-start
scs
__scs_entry_jumppad:
0x0: {  	(pc) =	sbr.rel $0x88, $3  }
0x1: {  	(tag) =	ssettag $0x0;
	lr =	simm.s32 $0x1  }
0x2: {  	[smem:$0x3F9B] =	sst lr;
	_ =	strace $0xD0000000  }
0x3: {  	_ = 	snop  }
0x4: {  	_ = 	snop  }
0x5: {  	_ = 	snop  }
0x6: {  	_ = 	snop  }
0x7: {  	_ = 	snop  }
__scs_overlays_trampoline_lowered:
0x8: {  	[smem:$0x3FAA] =	sst s0  }
0x9: {  	[smem:$0x3FAB] =	sst s1  }
0xa: {  	[smem:$0x3FAC] =	sst s2  }
0xb: {  	[smem:$0x3FAD] =	sst s3  }
0xc: {  	[smem:$0x3FAE] =	sst s4  }
0xd: {  	[smem:$0x3FAF] =	sst s5  }
0xe: {  	[smem:$0x3FB0] =	sst s6  }
0xf: {  	[smem:$0x3FB1] =	sst s7  }
0x10: {  	[smem:$0x3FB2] =	sst s8  }
0x11: {  	[smem:$0x3FB3] =	sst s9;
	s0 =	simm.s32 @!p0 $0x0  }
0x12: {  	s1 =	sld [smem:$0x3F99];
	s0 =	simm.s32 @p0 $0x1  }
0x13: {  	[smem:$0x3FB4] =	sst s0;
	s0 =	simm.s32 @!p1 $0x0  }
0x14: {  	s2 =	sld [smem:$0x3F98];
	s0 =	simm.s32 @p1 $0x1  }
0x15: {  	[smem:$0x3FB5] =	sst s0;
	s0 =	simm.s32 @!p2 $0x0  }
0x16: {  	s3 =	sld [smem:$0x3FDB];
	s0 =	simm.s32 @p2 $0x1  }
0x17: {  	s4 =	simm.s32 $0x1BF5;
	[smem:$0x3FB7] =	sst s0  }
0x18: {  	s0 =	sld [smem:$0x3F9A];
	_ =	swait.ge [sflag:s4], $0x0  }
0x19: {  	s7 =	sld [smem:$0x3F9B]  }
0x1a: {  	s8 =	sadd.s32 $0xFFFFE003, lr  }
0x1b: {  	s9 =	sadd.s32 $0xFFFFFEF7, lr;
	s5 =	simm.s32 $0xFFFFFFFF;
	p2 =	slt.u32 s8, $0xFFFFF086  }
0x1c: {  	p1 =	slt.u32 s9, $0xF7A;
	s5 =	simm.s32 @!p2 $0x0  }
0x1d: {  	s5 =	simm.s32 @p1 $0x1;
	p0 =	seq.s32 s7, s2  }
0x1e: {  	s7 =	smul.u32 @!p0 $0xF7A, s2;
	p2 =	seq.s32 @!p0 s5, $0x0  }
0x1f: {  	s9 =	smul.u32 $0xF7A, s1;
	s8 =	simm.s32 @!p0 $0x1BF5;
	p2 =	por !p2, p0  }
0x20: {  	[sflag:s8] =	ssyncset.s32 @!p0 $0xFFFFF086;
	s6 =	sadd.s32 @!p0 s3, s7;
	s7 =	simm.s32 @!p0 $0x108  }
0x21: {  	s3 =	sadd.s32 s3, s9;
	s6 =	sadd.s32 @!p0 $0x88, s6;
	s7 =	simm.s32 @p2 $0x1082  }
0x22: {  	[simem:s7], [sflag:s8] =	dma.local @!p0 [hbm:s6], $0xF7A  }
0x23: {  	s9 =	sor.u32 $0xD0000000, s2;
	s6 =	simm.s32 $0x108;
	_ =	swait.ge @!p0 [sflag:s8], $0x0  }
0x24: {  	s3 =	sadd.s32 $0x88, s3;
	s6 =	simm.s32 @!p1 $0x1082;
	[sflag:s4] =	ssyncset.s32 $0xFFFFF086  }
0x25: {  	[simem:s6], [sflag:s4] =	dma.local [hbm:s3], $0xF7A  }
0x26: {  	[smem:$0x3F9B] =	sst s1;
	(tag) =	ssettag s2;
	_ =	strace s9  }
0x27: {  	s1 =	sld [smem:$0x3FAB]  }
0x28: {  	s2 =	sld [smem:$0x3FAC]  }
0x29: {  	s4 =	sld [smem:$0x3FAE]  }
0x2a: {  	p0 =	seq.s32 s5, $0x0;
	s5 =	sld [smem:$0x3FAF]  }
0x2b: {  	s6 =	sld [smem:$0x3FB0]  }
0x2c: {  	s7 =	sld [smem:$0x3FB1]  }
0x2d: {  	s3 =	simm.s32 $0x108;
	s8 =	sld [smem:$0x3FB2]  }
0x2e: {  	s3 =	simm.s32 @!p0 $0x1082;
	s9 =	sld [smem:$0x3FB3]  }
0x2f: {  	lr =	sadd.s32 s0, s3;
	s0 =	sld [smem:$0x3FAA]  }
0x30: {  	s3 =	sld [smem:$0x3FAD]  }
0x31: {  	[smem:$0x3FB6] =	sst s10  }
0x32: {  	s10 =	sld [smem:$0x3FB4];
	_ =	sdelay $0x3  }
0x33: {  	p0 =	seq.s32 s10, $0x1;
	s10 =	sld [smem:$0x3FB6];
	_ =	sdelay $0x3  }
0x34: {  	[smem:$0x3FB6] =	sst s10  }
0x35: {  	s10 =	sld [smem:$0x3FB5];
	_ =	sdelay $0x3  }
0x36: {  	p1 =	seq.s32 s10, $0x1;
	s10 =	sld [smem:$0x3FB6];
	_ =	sdelay $0x3  }
0x37: {  	[smem:$0x3FB6] =	sst s10  }
0x38: {  	s10 =	sld [smem:$0x3FB7]  }
0x39: {  	_ = 	snop;
	(pc) =	sbr.ind lr, $3  }
0x3a: {  	_ = 	snop  }
0x3b: {  	_ = 	snop  }
0x3c: {  	p2 =	seq.s32 s10, $0x1;
	s10 =	sld [smem:$0x3FB6]  }
0x3d: {  	_ =	shalt  }
0x3e: {  	_ =	shalt  }
0x3f: {  	_ =	shalt  }
0x40: {  	_ =	shalt  }
0x41: {  	_ =	shalt  }
0x42: {  	_ =	shalt  }
0x43: {  	_ =	shalt  }
0x44: {  	_ =	shalt  }
0x45: {  	_ =	shalt  }
0x46: {  	_ =	shalt  }
0x47: {  	_ =	shalt  }
0x48: {  	_ =	shalt  }
0x49: {  	_ =	shalt  }
0x4a: {  	_ =	shalt  }
0x4b: {  	_ =	shalt  }
0x4c: {  	_ =	shalt  }
0x4d: {  	_ =	shalt  }
0x4e: {  	_ =	shalt  }
0x4f: {  	_ =	shalt  }
0x50: {  	_ =	shalt  }
0x51: {  	_ =	shalt  }
0x52: {  	_ =	shalt  }
0x53: {  	_ =	shalt  }
0x54: {  	_ =	shalt  }
0x55: {  	_ =	shalt  }
0x56: {  	_ =	shalt  }
0x57: {  	_ =	shalt  }
0x58: {  	_ =	shalt  }
0x59: {  	_ =	shalt  }
0x5a: {  	_ =	shalt  }
0x5b: {  	_ =	shalt  }
0x5c: {  	_ =	shalt  }
0x5d: {  	_ =	shalt  }
0x5e: {  	_ =	shalt  }
0x5f: {  	_ =	shalt  }
0x60: {  	_ =	shalt  }
0x61: {  	_ =	shalt  }
0x62: {  	_ =	shalt  }
0x63: {  	_ =	shalt  }
0x64: {  	_ =	shalt  }
0x65: {  	_ =	shalt  }
0x66: {  	_ =	shalt  }
0x67: {  	_ =	shalt  }
0x68: {  	_ =	shalt  }
0x69: {  	_ =	shalt  }
0x6a: {  	_ =	shalt  }
0x6b: {  	_ =	shalt  }
0x6c: {  	_ =	shalt  }
0x6d: {  	_ =	shalt  }
0x6e: {  	_ =	shalt  }
0x6f: {  	_ =	shalt  }
0x70: {  	_ =	shalt  }
0x71: {  	_ =	shalt  }
0x72: {  	_ =	shalt  }
0x73: {  	_ =	shalt  }
0x74: {  	_ =	shalt  }
0x75: {  	_ =	shalt  }
0x76: {  	_ =	shalt  }
0x77: {  	_ =	shalt  }
0x78: {  	_ =	shalt  }
0x79: {  	_ =	shalt  }
0x7a: {  	_ =	shalt  }
0x7b: {  	_ =	shalt  }
0x7c: {  	_ =	shalt  }
0x7d: {  	_ =	shalt  }
0x7e: {  	_ =	shalt  }
0x7f: {  	_ =	shalt  }
0x80: {  	_ =	shalt  }
0x81: {  	_ =	shalt  }
0x82: {  	_ =	shalt  }
0x83: {  	_ =	shalt  }
0x84: {  	_ =	shalt  }
0x85: {  	_ =	shalt  }
0x86: {  	_ =	shalt  }
0x87: {  	_ =	shalt  }
.Lfunc_end0:
.L_simem_size_0:
called_computation.3_lowered:
.L_overlay_start_0:
0x88: {  	s2 =	sld [smem:$0x3FD9]  }
0x89: {  	s3 =	sld [smem:$0x3FFE];
	_ =	sdelay $0x1  }
0x8a: {  	s1 =	srdreg.scid  }
0x8b: {  	s0 =	sand.u32 $0x1, s1  }
0x8c: {  	s17 =	sshll.u32 s0, $0xA;
	s2 =	sadd.s32 s3, s2  }
0x8d: {  	s2 =	sadd.s32 s2, s17  }
0x8e: {  	[smem:$0x3FC2] =	sst s2  }
0x8f: {  	_ = 	snop  }
0x90: {  	s18 =	sld [smem:$0x3FC8];
	(tm) =	ssettm $0x1  }
0x91: {  	s19 =	sld [smem:$0x3FFB];
	_ =	sdelay $0x3  }
0x92: {  	_ =	strace s19  }
0x93: {  	s2 =	sld [smem:$0x3FFC];
	_ =	sdelay $0x3  }
0x94: {  	_ =	strace s2  }
0x95: {  	s2 =	sld [smem:$0x3FFD];
	_ =	sdelay $0x3  }
0x96: {  	_ =	strace s2  }
0x97: {  	_ =	strace $0x8FFFFFFF  }
0x98: {  	s20 =	sld [smem:$0x3FDB];
	_ =	sdelay $0x1  }
0x99: {  	s4 =	simm.s32 $_scs_section_size  }
0x9a: {  	s5 =	simm.s32 $_size__tile_overlayer_lowered;
	s6 =	simm.s32 $_tile_overlayer_lowered  }
0x9b: {  	s7 =	simm.s32 $0x1BFF;
	s21 =	sshll.u32 s6, $0x1;
	s4 =	sadd.s32 s4, s20  }
0x9c: {  	s22 =	simm.s32 $0x0;
	s5 =	sshll.u32 s5, $0x1;
	s6 =	sadd.s32 s21, s4  }
0x9d: {  	[timem:s22], [sflag:s7] =	dma.local [hbm:s6], s5  }
0x9e: {  	_ =	swait.ge [sflag:s7], s5  }
0x9f: {  	s5 =	ssub.s32 $0x0, s5;
	[sflag:s7] =	ssyncset.done $0x0  }
0xa0: {  	[sflag:s7] =	ssyncadd.s32 s5;
	_ =	sdelay $0x1  }
0xa1: {  	s23 =	simm.s32 $0x1B8B  }
0xa2: {  	_ =	swait.ge [sflag:s23], $0x1  }
0xa3: {  	[sflag:s23] =	ssyncset.done $0x0  }
0xa4: {  	[sflag:s23] =	ssyncadd.s32 $0xFFFFFFFF  }
0xa5: {  	s5 =	sld [smem:$0x0]  }
0xa6: {  	s6 =	sand.u32 $0xFFFFFFFE, s1  }
0xa7: {  	p0 =	sne.s32 s1, s6  }
0xa8: {  	s6 =	sshll.u32 @p0 s6, $0xE  }
0xa9: {  	s6 =	sadd.s32 @p0 $0x11B8D, s6;
	s7 =	sshll.u32 @p0 s5, $0x11  }
0xaa: {  	s6 =	sor.u32 @p0 s7, s6  }
0xab: {  	[sflag:s6] =	ssyncadd.remote.s32 @p0 $0x1;
	_ =	sdelay $0x1  }
0xac: {  	s6 =	simm.s32 @p0 $0x1B8D  }
0xad: {  	_ =	swait.eq @p0 [sflag:s6], $0x1  }
0xae: {  	[sflag:s6] =	ssyncadd.s32 @p0 $0xFFFFFFFF  }
0xaf: {  	s7 =	sshll.u32 @!p0 s1, $0xE  }
0xb0: {  	s7 =	sor.u32 @!p0 $0x4000, s7;
	s6 =	simm.s32 @!p0 $0x1B8D  }
0xb1: {  	s5 =	sshll.u32 @!p0 s5, $0x11;
	s7 =	sadd.s32 @!p0 $0x11B8D, s7;
	_ =	swait.eq @!p0 [sflag:s6], $0x1  }
0xb2: {  	s5 =	sor.u32 @!p0 s5, s7;
	[sflag:s6] =	ssyncadd.s32 @!p0 $0xFFFFFFFF  }
0xb3: {  	s25 =	simm.s32 $0x1B8E;
	s24 =	sld [smem:$0x3FFE];
	[sflag:s5] =	ssyncadd.remote.s32 @!p0 $0x1  }
0xb4: {  	s26 =	simm.s32 $execute0_lowered;
	[smem:$0x3FD2] =	sst s25  }
0xb5: {  	s6 =	sshll.u32 s26, $0x1;
	_ =	strace $0x8000004F;
	[dreg:$0x1] =	wrdreg $0xFFFFFFFF  }
0xb6: {  	s28 =	simm.s32 $_size_execute0_lowered;
	s4 =	sadd.s32 s4, s6;
	[dreg:$0x0] =	wrdreg $0x0  }
0xb7: {  	s6 =	sshll.u32 s28, $0x1;
	[dreg:$0x2] =	wrdreg s4  }
0xb8: {  	[dreg:$0x3] =	wrdreg s6  }
0xb9: {  	[dreg:$0x4] =	wrdreg $0xC0  }
0xba: {  	_ =	task [dreg:s22], $0x5FFFF  }
0xbb: {  	[dreg:$0x1] =	wrdreg $0xFFFFFFFF  }
0xbc: {  	[dreg:$0x0] =	wrdreg $0x60  }
0xbd: {  	[dreg:$0x2] =	wrdreg s18  }
0xbe: {  	[dreg:$0x3] =	wrdreg s24  }
0xbf: {  	[dreg:$0x4] =	wrdreg $0xC  }
0xc0: {  	_ =	task.clear_ibuf [dreg:s22], $0x5FFFF;
	_ =	strace $0x9000004F  }
0xc1: {  	s29 =	simm.s32 $0xC;
	_ =	strace $0x80000051  }
0xc2: {  	_ =	swait.ge [sflag:s29], $0x1  }
0xc3: {  	[sflag:s29] =	ssyncadd.s32 $0xFFFFFFFF  }
0xc4: {  	_ =	strace $0x90000051  }
0xc5: {  	_ =	sfence  }
0xc6: {  	s30 =	sld [smem:$0x0];
	_ =	sdelay $0x2  }
0xc7: {  	s31 =	sshll.u32 s1, $0xD;
	s1 =	sshrl.u32 s1, $0x2  }
0xc8: {  	s4 =	sand.u32 $0x4000, s31;
	s1 =	sadd.s32 s1, s30  }
0xc9: {  	s0 =	sor.u32 s4, s0;
	s1 =	sshll.u32 s1, $0x11  }
0xca: {  	s0 =	sor.u32 s1, s0  }
0xcb: {  	s0 =	sadd.s32 $0x8F2B, s0  }
0xcc: {  	[sflag:s0] =	ssyncadd.remote.s32 $0x1  }
0xcd: {  	_ =	sfence.sel $0xFFFF  }
0xce: {  	[dreg:$0x0] =	wrdreg $0xFFFFFFFF;
	(pc) =	sbr.abs _section_cstart, $3  }
0xcf: {  	[dreg:$0x1] =	wrdreg $0xFFFFFFFF  }
0xd0: {  	_ =	task.clear_ibuf [dreg:s22], $0x2FFFF;
	_ =	strace $0x9FFFFFFF  }
0xd1: {  	(tm) =	ssettm $0x7FFFFFFF  }
tec
execute0_lowered:
.L_overlay_start_1:
0x0: {  	(tag) =	ssettag $0x1  }
0x1: {  	s1 =	srdreg.scid  }
0x2: {  	s2 =	rddreg [dreg:$0x0];
	s0 =	stileid.u32;
	s14 =	sand.u32 $0x1, s1  }
0x3: {  	s8 =	rddreg [dreg:$0x1];
	s4 =	sshll.u32 s0, $0xB;
	s5 =	sshll.u32 s14, $0xA  }
0x4: {  	s3 =	simm.s32 $0x0;
	s1 =	rddreg [dreg:$0x2];
	s13 =	sor.u32 s5, s4  }
0x5: {  	[smem:$0x7FF] =	sst s3;
	s15 =	sadd.s32 $0xA3C00, s8;
	s4 =	sshrl.u32 s13, $0x3  }
0x6: {  	_ =	strace $0x80000050;
	s5 =	sadd.s32 s15, s4;
	s4 =	simm.s32 $0x2  }
0x7: {  	[tilespmem:s3], [sflag:$0x2] =	stream.linear.gather [hbm4b:s5+s3], $0x100, $0x38;
	[tilespmem:$0x8100] =	vst v63  }
0x8: {  	_ =	swait.ge [sflag:s4], $0x100  }
0x9: {  	[sflag:s4] =	ssyncset.done $0x0  }
0xa: {  	s6 =	simm.s32 $0x100;
	s7 =	simm.s32 $0x1;
	[sflag:s4] =	ssyncadd.s32 $0xFFFFFF00  }
0xb: {  	[tilespmem:s6], [sflag:$0x1] =	stream.indirect.gather [hbm4b:s2+s6], $0x80, s3, s6, $0xb8;
	[tilespmem:$0x8100] =	vst v63  }
0xc: {  	_ =	swait.ge [sflag:s7], $0x8000  }
0xd: {  	s16 =	sadd.s32 $0xA4C00, s8;
	s29 =	sshll.u32 s13, $0x4;
	[sflag:s7] =	ssyncset.done $0x0  }
0xe: {  	s8 =	sadd.s32 s16, s29;
	[sflag:s7] =	ssyncadd.s32 $0xFFFF8000  }
0xf: {  	[hbm4b:s8+s3] =	stream.linear.scatter [tilespmem:s6], [sflag:$0x2], $0x8000, $0x38;
	[tilespmem:$0x8100] =	vst v63  }
0x10: {  	s10 =	sor.u32 $0x100, s13;
	_ =	swait.ge [sflag:s4], $0x8000  }
0x11: {  	s9 =	sshrl.u32 s10, $0x3;
	[sflag:s4] =	ssyncset.done $0x0  }
0x12: {  	s9 =	sadd.s32 s15, s9;
	[sflag:s4] =	ssyncadd.s32 $0xFFFF8000  }
0x13: {  	[tilespmem:s3], [sflag:$0x2] =	stream.linear.gather [hbm4b:s9+s3], $0x100, $0x38;
	[tilespmem:$0x8100] =	vst v63  }
0x14: {  	_ =	swait.ge [sflag:s4], $0x100  }
0x15: {  	[sflag:s4] =	ssyncset.done $0x0  }
0x16: {  	[sflag:s4] =	ssyncadd.s32 $0xFFFFFF00  }
0x17: {  	[tilespmem:s6], [sflag:$0x1] =	stream.indirect.gather [hbm4b:s2+s6], $0x80, s3, s6, $0xb8;
	[tilespmem:$0x8100] =	vst v63  }
0x18: {  	_ =	swait.ge [sflag:s7], $0x8000  }
0x19: {  	s10 =	sshll.u32 s10, $0x4;
	[sflag:s7] =	ssyncset.done $0x0  }
0x1a: {  	s10 =	sadd.s32 s16, s10;
	[sflag:s7] =	ssyncadd.s32 $0xFFFF8000  }
0x1b: {  	[hbm4b:s10+s3] =	stream.linear.scatter [tilespmem:s6], [sflag:$0x2], $0x8000, $0x38;
	[tilespmem:$0x8100] =	vst v63  }
0x1c: {  	s12 =	sor.u32 $0x200, s13;
	_ =	swait.ge [sflag:s4], $0x8000  }
0x1d: {  	s11 =	sshrl.u32 s12, $0x3;
	[sflag:s4] =	ssyncset.done $0x0  }
0x1e: {  	s11 =	sadd.s32 s15, s11;
	[sflag:s4] =	ssyncadd.s32 $0xFFFF8000  }
0x1f: {  	[tilespmem:s3], [sflag:$0x2] =	stream.linear.gather [hbm4b:s11+s3], $0x100, $0x38;
	[tilespmem:$0x8100] =	vst v63  }
0x20: {  	_ =	swait.ge [sflag:s4], $0x100  }
0x21: {  	[sflag:s4] =	ssyncset.done $0x0  }
0x22: {  	[sflag:s4] =	ssyncadd.s32 $0xFFFFFF00  }
0x23: {  	[tilespmem:s6], [sflag:$0x1] =	stream.indirect.gather [hbm4b:s2+s6], $0x80, s3, s6, $0xb8;
	[tilespmem:$0x8100] =	vst v63  }
0x24: {  	_ =	swait.ge [sflag:s7], $0x8000  }
0x25: {  	s12 =	sshll.u32 s12, $0x4;
	[sflag:s7] =	ssyncset.done $0x0  }
0x26: {  	s12 =	sadd.s32 s16, s12;
	[sflag:s7] =	ssyncadd.s32 $0xFFFF8000  }
0x27: {  	[hbm4b:s12+s3] =	stream.linear.scatter [tilespmem:s6], [sflag:$0x2], $0x8000, $0x38;
	[tilespmem:$0x8100] =	vst v63  }
0x28: {  	s17 =	sor.u32 $0x300, s13;
	_ =	swait.ge [sflag:s4], $0x8000  }
0x29: {  	s13 =	sshrl.u32 s17, $0x3;
	[sflag:s4] =	ssyncset.done $0x0  }
0x2a: {  	s14 =	ssub.s32 $0x2, s14;
	s13 =	sadd.s32 s15, s13;
	[sflag:s4] =	ssyncadd.s32 $0xFFFF8000  }
0x2b: {  	[tilespmem:s3], [sflag:$0x2] =	stream.linear.gather [hbm4b:s13+s3], $0x100, $0x38;
	[tilespmem:$0x8100] =	vst v63  }
0x2c: {  	s30 =	sshrl.u32 s14, $0x1;
	_ =	swait.ge [sflag:s4], $0x100  }
0x2d: {  	s15 =	ssub.s32 s14, s30;
	[sflag:s4] =	ssyncset.done $0x0  }
0x2e: {  	s15 =	smax.u32 s15, $0x1;
	[sflag:s4] =	ssyncadd.s32 $0xFFFFFF00  }
0x2f: {  	[tilespmem:s6], [sflag:$0x1] =	stream.indirect.gather [hbm4b:s2+s6], $0x80, s3, s6, $0xb8;
	[tilespmem:$0x8100] =	vst v63  }
0x30: {  	p0 =	sne.s32 s15, $0x1;
	_ =	swait.ge [sflag:s7], $0x8000  }
.Ltmp0:
0x31: {  	s31 =	sshll.u32 s17, $0x4;
	[sflag:s7] =	ssyncset.done $0x0;
	(pc) =	sbr.rel @!p0 .LBB2_2-.Ltmp0, $4  }
0x32: {  	s14 =	sadd.s32 s16, s31;
	[sflag:s7] =	ssyncadd.s32 $0xFFFF8000  }
0x33: {  	[hbm4b:s14+s3] =	stream.linear.scatter [tilespmem:s6], [sflag:$0x2], $0x8000, $0x38;
	[tilespmem:$0x8100] =	vst v63  }
0x34: {  	_ =	swait.ge [sflag:s4], $0x8000  }
0x35: {  	s15 =	sadd.s32 $0xFFFFFFFF, s15;
	[sflag:s4] =	ssyncset.done $0x0  }
.LBB2_1:
0x36: {  	p0 =	sne.s32 s15, $0x1;
	s15 =	sadd.s32 $0xFFFFFFFF, s15;
	[sflag:s4] =	ssyncadd.s32 $0xFFFF8000  }
0x37: {  	[tilespmem:s3], [sflag:$0x2] =	stream.linear.gather [hbm4b:s5+s3], $0x100, $0x38;
	[tilespmem:$0x8100] =	vst v63  }
0x38: {  	_ =	swait.ge [sflag:s4], $0x100  }
0x39: {  	[sflag:s4] =	ssyncset.done $0x0  }
0x3a: {  	[sflag:s4] =	ssyncadd.s32 $0xFFFFFF00  }
0x3b: {  	[tilespmem:s6], [sflag:$0x1] =	stream.indirect.gather [hbm4b:s2+s6], $0x80, s3, s6, $0xb8;
	[tilespmem:$0x8100] =	vst v63  }
0x3c: {  	_ =	swait.ge [sflag:s7], $0x8000  }
0x3d: {  	[sflag:s7] =	ssyncset.done $0x0  }
0x3e: {  	[sflag:s7] =	ssyncadd.s32 $0xFFFF8000  }
0x3f: {  	[hbm4b:s8+s3] =	stream.linear.scatter [tilespmem:s6], [sflag:$0x2], $0x8000, $0x38;
	[tilespmem:$0x8100] =	vst v63  }
0x40: {  	_ =	swait.ge [sflag:s4], $0x8000  }
0x41: {  	[sflag:s4] =	ssyncset.done $0x0  }
0x42: {  	[sflag:s4] =	ssyncadd.s32 $0xFFFF8000  }
0x43: {  	[tilespmem:s3], [sflag:$0x2] =	stream.linear.gather [hbm4b:s9+s3], $0x100, $0x38;
	[tilespmem:$0x8100] =	vst v63  }
0x44: {  	_ =	swait.ge [sflag:s4], $0x100  }
0x45: {  	[sflag:s4] =	ssyncset.done $0x0  }
0x46: {  	[sflag:s4] =	ssyncadd.s32 $0xFFFFFF00  }
0x47: {  	[tilespmem:s6], [sflag:$0x1] =	stream.indirect.gather [hbm4b:s2+s6], $0x80, s3, s6, $0xb8;
	[tilespmem:$0x8100] =	vst v63  }
0x48: {  	_ =	swait.ge [sflag:s7], $0x8000  }
0x49: {  	[sflag:s7] =	ssyncset.done $0x0  }
0x4a: {  	[sflag:s7] =	ssyncadd.s32 $0xFFFF8000  }
0x4b: {  	[hbm4b:s10+s3] =	stream.linear.scatter [tilespmem:s6], [sflag:$0x2], $0x8000, $0x38;
	[tilespmem:$0x8100] =	vst v63  }
0x4c: {  	_ =	swait.ge [sflag:s4], $0x8000  }
0x4d: {  	[sflag:s4] =	ssyncset.done $0x0  }
0x4e: {  	[sflag:s4] =	ssyncadd.s32 $0xFFFF8000  }
0x4f: {  	[tilespmem:s3], [sflag:$0x2] =	stream.linear.gather [hbm4b:s11+s3], $0x100, $0x38;
	[tilespmem:$0x8100] =	vst v63  }
0x50: {  	_ =	swait.ge [sflag:s4], $0x100  }
0x51: {  	[sflag:s4] =	ssyncset.done $0x0  }
0x52: {  	[sflag:s4] =	ssyncadd.s32 $0xFFFFFF00  }
0x53: {  	[tilespmem:s6], [sflag:$0x1] =	stream.indirect.gather [hbm4b:s2+s6], $0x80, s3, s6, $0xb8;
	[tilespmem:$0x8100] =	vst v63  }
0x54: {  	_ =	swait.ge [sflag:s7], $0x8000  }
0x55: {  	[sflag:s7] =	ssyncset.done $0x0  }
0x56: {  	[sflag:s7] =	ssyncadd.s32 $0xFFFF8000  }
0x57: {  	[hbm4b:s12+s3] =	stream.linear.scatter [tilespmem:s6], [sflag:$0x2], $0x8000, $0x38;
	[tilespmem:$0x8100] =	vst v63  }
0x58: {  	_ =	swait.ge [sflag:s4], $0x8000  }
0x59: {  	[sflag:s4] =	ssyncset.done $0x0  }
0x5a: {  	[sflag:s4] =	ssyncadd.s32 $0xFFFF8000  }
0x5b: {  	[tilespmem:s3], [sflag:$0x2] =	stream.linear.gather [hbm4b:s13+s3], $0x100, $0x38;
	[tilespmem:$0x8100] =	vst v63  }
0x5c: {  	_ =	swait.ge [sflag:s4], $0x100  }
0x5d: {  	[sflag:s4] =	ssyncset.done $0x0  }
0x5e: {  	[sflag:s4] =	ssyncadd.s32 $0xFFFFFF00  }
0x5f: {  	[tilespmem:s6], [sflag:$0x1] =	stream.indirect.gather [hbm4b:s2+s6], $0x80, s3, s6, $0xb8;
	[tilespmem:$0x8100] =	vst v63  }
0x60: {  	_ =	swait.ge [sflag:s7], $0x8000  }
.Ltmp1:
0x61: {  	[sflag:s7] =	ssyncset.done $0x0;
	(pc) =	sbr.rel @p0 .LBB2_1-.Ltmp1, $4  }
0x62: {  	[sflag:s7] =	ssyncadd.s32 $0xFFFF8000  }
0x63: {  	[hbm4b:s14+s3] =	stream.linear.scatter [tilespmem:s6], [sflag:$0x2], $0x8000, $0x38;
	[tilespmem:$0x8100] =	vst v63  }
0x64: {  	_ =	swait.ge [sflag:s4], $0x8000  }
0x65: {  	[sflag:s4] =	ssyncset.done $0x0  }
.LBB2_2:
0x66: {  	[sflag:s4] =	ssyncadd.s32 $0xFFFF8000  }
0x67: {  	_ =	sfence.sel $0x180000  }
0x68: {  	[bflag:$0x0] =	sbarrier.arrive $0xFFFF  }
0x69: {  	p0 =	sne.s32 s0, $0x0;
	_ =	strace $0x90000050  }
0x6a: {  	s0 =	sadd.s32 @!p0 $0x100000, s1;
	[bflag:$0x2] =	sbarrier.arrive $0xFFFF  }
0x6b: {  	[sflag:s0] =	ssyncadd.tile.s32 @!p0 $0x1;
	_ =	shalt  }
.Lfunc_end2:
_tile_overlayer_lowered:
.L_overlay_start_2:
0x6c: {  	(tag) =	ssettag $0x2  }
0x6d: {  	s0 =	rddreg [dreg:$0x0];
	s2 =	stileid.u32  }
0x6e: {  	s1 =	rddreg [dreg:$0x1];
	p0 =	sne.s32 s2, $0x0  }
0x6f: {  	s3 =	rddreg [dreg:$0x2];
	[bflag:$0x3] =	sbarrier.arrive $0xFFFF;
	s2 =	simm.s32 @!p0 $0x1C02  }
0x70: {  	[timem:s3], [sflag:s2] =	dma.local @!p0 [hbm:s0], s1  }
0x71: {  	s0 =	simm.s32 @!p0 $0x2  }
0x72: {  	_ =	swait.ge @!p0 [sflag:s0], s1  }
0x73: {  	s1 =	ssub.s32 @!p0 $0x0, s1;
	[sflag:s0] =	ssyncset.done @!p0 $0x0  }
0x74: {  	[sflag:s0] =	ssyncadd.s32 @!p0 s1  }
0x75: {  	[bflag:$0x3] =	sbarrier.arrive $0xFFFF  }
0x76: {  	_ =	shalt  }

</sc_bundles>
